<compile_context>
chip_gen: v7x
topology: tpu7x:2x2x1
jax: 0.10.2.dev20260603
libtpu: 0.0.44.dev20260713+nightly
codegen_flags: <defaults>
</compile_context>

<pallas_src>
import functools

import jax
import jax.numpy as jnp
from jax import lax
from jax.experimental import pallas as pl
from jax.experimental.pallas import tpu as pltpu
from jax.experimental.pallas import tpu_sc as plsc

VOCAB = 1000000
D = 64
B = 16384
NC = 2
NS = 16
NW = NC * NS
BPW = B // NW
CH = 128
NCH = BPW // CH
LANES = 16
PR = 2 * D


@functools.cache
def _build_encoder():
    mesh = plsc.VectorSubcoreMesh(core_axis_name="c", subcore_axis_name="s")

    @functools.partial(
        pl.kernel,
        mesh=mesh,
        out_type=jax.ShapeDtypeStruct((B // 2, PR), jnp.float32),
        scratch_types=[
            pltpu.VMEM((NCH, CH), jnp.int32),
            pltpu.VMEM((NCH, CH), jnp.int32),
            pltpu.VMEM((2, CH, PR), jnp.float32),
            pltpu.VMEM((2, CH, PR), jnp.float32),
            pltpu.VMEM((BPW // 2, PR), jnp.float32),
            pltpu.SemaphoreType.DMA,
            pltpu.SemaphoreType.DMA,
        ],
        compiler_params=pltpu.CompilerParams(needs_layout_passes=False),
    )
    def _encode(idxp_hbm, hb_hbm, item_hbm, ent_hbm, out_hbm,
                idxp_v, hb_v, a_v, b_v, out_v, sem_a, sem_b):
        wid = lax.axis_index("s") * NC + lax.axis_index("c")

        pltpu.sync_copy(idxp_hbm.at[pl.ds(wid * NCH, NCH)], idxp_v)
        pltpu.sync_copy(hb_hbm.at[pl.ds(wid * NCH, NCH)], hb_v)

        def fire(j, buf):
            ca = pltpu.async_copy(item_hbm.at[idxp_v.at[j]], a_v.at[buf], sem_a)
            cb = pltpu.async_copy(ent_hbm.at[idxp_v.at[j]], b_v.at[buf], sem_b)
            return ca, cb

        lane = lax.iota(jnp.int32, LANES)

        def repack(j, buf):
            aj = a_v.at[buf]
            bj = b_v.at[buf]

            def row_body(r, carry):
                hb16 = plsc.load_gather(hb_v, [jnp.full((LANES,), j, jnp.int32),
                                               jnp.full((LANES,), r, jnp.int32)])
                rr = jnp.full((LANES,), r, jnp.int32)
                g = j * CH + r
                q = g // 2
                co = (g % 2) * D
                for cg in range(D // LANES):
                    col = hb16 + (cg * LANES) + lane
                    va = plsc.load_gather(aj, [rr, col])
                    vb = plsc.load_gather(bj, [rr, col])
                    out_v[q, pl.ds(co + cg * LANES, LANES)] = va + vb
                return carry

            lax.fori_loop(0, CH, row_body, 0)

        cops = fire(0, 0)
        for j in range(NCH):
            nxt = fire(j + 1, (j + 1) % 2) if j + 1 < NCH else None
            for c in cops:
                c.wait()
            repack(j, j % 2)
            cops = nxt

        pltpu.sync_copy(out_v, out_hbm.at[pl.ds(wid * (BPW // 2), BPW // 2)])

    return _encode


def kernel(batch_data, item_table, ent_table):
    idxp = (batch_data >> 1).reshape(NW * NCH, CH)
    hb = ((batch_data & 1) * D).reshape(NW * NCH, CH)
    item2 = item_table.reshape(VOCAB // 2, PR)
    ent2 = ent_table.reshape(VOCAB // 2, PR)
    out2 = _build_encoder()(idxp, hb, item2, ent2)
    return out2.reshape(B, D)

# --- scband reference (transcript-rebuilt; emitter-appended) ---
"""Pipeline reference for scband-cke-item-encoder-62337155334228 (READ-ONLY COPY).

The authoritative reference and input builder live on the scoring server;
editing this copy changes nothing except your own understanding.
"""

import jax, jax.numpy as jnp
import numpy as np

VOCAB = 1000000
EMBED_DIM = 64
BATCH = 16384


def setup_inputs(seed: int = 0) -> dict:
    key = jax.random.key(seed)
    k_idx, k_item, k_ent = jax.random.split(key, 3)
    batch_data = jax.random.randint(k_idx, (BATCH,), 0, VOCAB, dtype=jnp.int64 if jax.config.jax_enable_x64 else jnp.int32).astype(jnp.int32)
    item_table = jax.random.normal(k_item, (VOCAB, EMBED_DIM), dtype=jnp.float32) * 0.02
    ent_table = jax.random.normal(k_ent, (VOCAB, EMBED_DIM), dtype=jnp.float32) * 0.02
    return {"batch_data": batch_data, "item_table": item_table, "ent_table": ent_table}


def reference(batch_data, item_table, ent_table):
    # CKE item encoder: item embedding lookup + entity (KG) embedding lookup, summed.
    item_vec = jnp.take(item_table, batch_data, axis=0)
    ent_vec = jnp.take(ent_table, batch_data, axis=0)
    return item_vec + ent_vec

if __name__ == "__main__":
    import jax
    _d = setup_inputs()
    print(jax.jit(kernel)(*tuple(_d.values())))

</pallas_src>

<mosaic_0001>
#map = affine_map<(d0, d1) -> (0, 0)>
module attributes {stable_mosaic.version = 14 : i64} {
  func.func @_encode(%arg0: i32, %arg1: i32, %arg2: memref<128x128xi32, #tpu.memory_space<hbm>>, %arg3: memref<128x128xi32, #tpu.memory_space<hbm>>, %arg4: memref<500000x128xf32, #tpu.memory_space<hbm>>, %arg5: memref<500000x128xf32, #tpu.memory_space<hbm>>, %arg6: memref<8192x128xf32, #tpu.memory_space<hbm>>, %arg7: memref<4x128xi32, #tpu.memory_space<vmem>>, %arg8: memref<4x128xi32, #tpu.memory_space<vmem>>, %arg9: memref<2x128x128xf32, #tpu.memory_space<vmem>>, %arg10: memref<2x128x128xf32, #tpu.memory_space<vmem>>, %arg11: memref<256x128xf32, #tpu.memory_space<vmem>>, %arg12: memref<!tpu.dma_semaphore, #tpu.memory_space<semaphore_mem>>, %arg13: memref<!tpu.dma_semaphore, #tpu.memory_space<semaphore_mem>>) attributes {dimension_semantics = [#tpu.dimension_semantics<core_parallel>, #tpu.dimension_semantics<subcore_parallel>], iteration_bounds = array<i64: 2, 16>, scalar_prefetch = 0 : i64, scratch_operands = 7 : i64, tpu.core_type = #tpu.core_type<sc_vector_subcore>, window_params = [{transform_indices = #map}, {transform_indices = #map}, {transform_indices = #map}, {transform_indices = #map}, {transform_indices = #map}]} {
    %mul3A = arith.constant 2 : i32
    %mul3A_0 = arith.muli %arg1, %mul3A : i32
    %add3A = arith.addi %mul3A_0, %arg0 : i32
    %mul3A_1 = arith.constant 4 : i32
    %mul3A_2 = arith.muli %add3A, %mul3A_1 : i32
    "tpu.region"() ({
      %run_scoped3A = tpu.sem_alloc : memref<!tpu.dma_semaphore, #tpu.memory_space<semaphore_mem>>
      %dma_start3A_228 = arith.constant 0 : i32
      %dma_start3A_229 = tpu.memref_slice %arg2[%mul3A_2, %dma_start3A_228] : memref<128x128xi32, #tpu.memory_space<hbm>> -> memref<4x128xi32, #tpu.memory_space<hbm>>
      %dma_start3A_230 = arith.constant 0 : i32
      %dma_start3A_231 = tpu.memref_slice %arg2[%mul3A_2, %dma_start3A_230] : memref<128x128xi32, #tpu.memory_space<hbm>> -> memref<4x128xi32, #tpu.memory_space<hbm>>
      tpu.enqueue_dma source(%dma_start3A_231 : memref<4x128xi32, #tpu.memory_space<hbm>>) target(%arg7 : memref<4x128xi32, #tpu.memory_space<vmem>>) target_semaphore(%run_scoped3A : memref<!tpu.dma_semaphore, #tpu.memory_space<semaphore_mem>>)
      %dma_wait3A_232 = arith.constant 0 : i32
      %dma_wait3A_233 = tpu.memref_slice %arg2[%mul3A_2, %dma_wait3A_232] : memref<128x128xi32, #tpu.memory_space<hbm>> -> memref<4x128xi32, #tpu.memory_space<hbm>>
      %dma_wait3A_234 = arith.constant 0 : i32
      %dma_wait3A_235 = tpu.memref_slice %arg2[%mul3A_2, %dma_wait3A_234] : memref<128x128xi32, #tpu.memory_space<hbm>> -> memref<4x128xi32, #tpu.memory_space<hbm>>
      tpu.wait_dma2 semaphore(%run_scoped3A : memref<!tpu.dma_semaphore, #tpu.memory_space<semaphore_mem>>) src(%dma_wait3A_235 : memref<4x128xi32, #tpu.memory_space<hbm>>) dst(%arg7 : memref<4x128xi32, #tpu.memory_space<vmem>>)
      tpu.yield
    }) : () -> ()
    %mul3A_3 = arith.constant 4 : i32
    %mul3A_4 = arith.muli %add3A, %mul3A_3 : i32
    "tpu.region"() ({
      %run_scoped3A = tpu.sem_alloc : memref<!tpu.dma_semaphore, #tpu.memory_space<semaphore_mem>>
      %dma_start3A_228 = arith.constant 0 : i32
      %dma_start3A_229 = tpu.memref_slice %arg3[%mul3A_4, %dma_start3A_228] : memref<128x128xi32, #tpu.memory_space<hbm>> -> memref<4x128xi32, #tpu.memory_space<hbm>>
      %dma_start3A_230 = arith.constant 0 : i32
      %dma_start3A_231 = tpu.memref_slice %arg3[%mul3A_4, %dma_start3A_230] : memref<128x128xi32, #tpu.memory_space<hbm>> -> memref<4x128xi32, #tpu.memory_space<hbm>>
      tpu.enqueue_dma source(%dma_start3A_231 : memref<4x128xi32, #tpu.memory_space<hbm>>) target(%arg8 : memref<4x128xi32, #tpu.memory_space<vmem>>) target_semaphore(%run_scoped3A : memref<!tpu.dma_semaphore, #tpu.memory_space<semaphore_mem>>)
      %dma_wait3A_232 = arith.constant 0 : i32
      %dma_wait3A_233 = tpu.memref_slice %arg3[%mul3A_4, %dma_wait3A_232] : memref<128x128xi32, #tpu.memory_space<hbm>> -> memref<4x128xi32, #tpu.memory_space<hbm>>
      %dma_wait3A_234 = arith.constant 0 : i32
      %dma_wait3A_235 = tpu.memref_slice %arg3[%mul3A_4, %dma_wait3A_234] : memref<128x128xi32, #tpu.memory_space<hbm>> -> memref<4x128xi32, #tpu.memory_space<hbm>>
      tpu.wait_dma2 semaphore(%run_scoped3A : memref<!tpu.dma_semaphore, #tpu.memory_space<semaphore_mem>>) src(%dma_wait3A_235 : memref<4x128xi32, #tpu.memory_space<hbm>>) dst(%arg8 : memref<4x128xi32, #tpu.memory_space<vmem>>)
      tpu.yield
    }) : () -> ()
    %iota3A = tpu.iota {dimensions = array<i32: 0>} : vector<16xi32>
    %dma_start3A = arith.constant 0 : i32
    %dma_start3A_5 = arith.constant 0 : i32
    %dma_start3A_6 = arith.constant 0 : i32
    %dma_start3A_7 = arith.constant 0 : i32
    %dma_start3A_8 = tpu.memref_slice %arg9[%dma_start3A_5, %dma_start3A_6, %dma_start3A_7] : memref<2x128x128xf32, #tpu.memory_space<vmem>> -> memref<1x128x128xf32, #tpu.memory_space<vmem>>
    %dma_start3A_9 = tpu.memref_squeeze %dma_start3A_8 : memref<1x128x128xf32, #tpu.memory_space<vmem>> -> memref<128x128xf32, #tpu.memory_space<vmem>>
    %dma_start3A_10 = arith.constant 0 : i32
    %dma_start3A_11 = tpu.memref_slice %arg7[%dma_start3A, %dma_start3A_10] : memref<4x128xi32, #tpu.memory_space<vmem>> -> memref<1x128xi32, #tpu.memory_space<vmem>>
    %dma_start3A_12 = tpu.memref_squeeze %dma_start3A_11 : memref<1x128xi32, #tpu.memory_space<vmem>> -> memref<128xi32, #tpu.memory_space<vmem>>
    %dma_start3A_13 = arith.constant 0 : i32
    %dma_start3A_14 = arith.constant 0 : i32
    %dma_start3A_15 = tpu.memref_slice %arg4[%dma_start3A_13, %dma_start3A_14] : memref<500000x128xf32, #tpu.memory_space<hbm>> -> memref<500000x128xf32, #tpu.memory_space<hbm>>
    tpu.enqueue_indirect_dma source(%dma_start3A_15 : memref<500000x128xf32, #tpu.memory_space<hbm>>) target(%dma_start3A_9 : memref<128x128xf32, #tpu.memory_space<vmem>>) offsets(%dma_start3A_12 : memref<128xi32, #tpu.memory_space<vmem>>) semaphore(%arg12 : memref<!tpu.dma_semaphore, #tpu.memory_space<semaphore_mem>>)
    %dma_start3A_16 = arith.constant 0 : i32
    %dma_start3A_17 = arith.constant 0 : i32
    %dma_start3A_18 = arith.constant 0 : i32
    %dma_start3A_19 = arith.constant 0 : i32
    %dma_start3A_20 = tpu.memref_slice %arg10[%dma_start3A_17, %dma_start3A_18, %dma_start3A_19] : memref<2x128x128xf32, #tpu.memory_space<vmem>> -> memref<1x128x128xf32, #tpu.memory_space<vmem>>
    %dma_start3A_21 = tpu.memref_squeeze %dma_start3A_20 : memref<1x128x128xf32, #tpu.memory_space<vmem>> -> memref<128x128xf32, #tpu.memory_space<vmem>>
    %dma_start3A_22 = arith.constant 0 : i32
    %dma_start3A_23 = tpu.memref_slice %arg7[%dma_start3A_16, %dma_start3A_22] : memref<4x128xi32, #tpu.memory_space<vmem>> -> memref<1x128xi32, #tpu.memory_space<vmem>>
    %dma_start3A_24 = tpu.memref_squeeze %dma_start3A_23 : memref<1x128xi32, #tpu.memory_space<vmem>> -> memref<128xi32, #tpu.memory_space<vmem>>
    %dma_start3A_25 = arith.constant 0 : i32
    %dma_start3A_26 = arith.constant 0 : i32
    %dma_start3A_27 = tpu.memref_slice %arg5[%dma_start3A_25, %dma_start3A_26] : memref<500000x128xf32, #tpu.memory_space<hbm>> -> memref<500000x128xf32, #tpu.memory_space<hbm>>
    tpu.enqueue_indirect_dma source(%dma_start3A_27 : memref<500000x128xf32, #tpu.memory_space<hbm>>) target(%dma_start3A_21 : memref<128x128xf32, #tpu.memory_space<vmem>>) offsets(%dma_start3A_24 : memref<128xi32, #tpu.memory_space<vmem>>) semaphore(%arg13 : memref<!tpu.dma_semaphore, #tpu.memory_space<semaphore_mem>>)
    %dma_start3A_28 = arith.constant 1 : i32
    %dma_start3A_29 = arith.constant 1 : i32
    %dma_start3A_30 = arith.constant 0 : i32
    %dma_start3A_31 = arith.constant 0 : i32
    %dma_start3A_32 = tpu.memref_slice %arg9[%dma_start3A_29, %dma_start3A_30, %dma_start3A_31] : memref<2x128x128xf32, #tpu.memory_space<vmem>> -> memref<1x128x128xf32, #tpu.memory_space<vmem>>
    %dma_start3A_33 = tpu.memref_squeeze %dma_start3A_32 : memref<1x128x128xf32, #tpu.memory_space<vmem>> -> memref<128x128xf32, #tpu.memory_space<vmem>>
    %dma_start3A_34 = arith.constant 0 : i32
    %dma_start3A_35 = tpu.memref_slice %arg7[%dma_start3A_28, %dma_start3A_34] : memref<4x128xi32, #tpu.memory_space<vmem>> -> memref<1x128xi32, #tpu.memory_space<vmem>>
    %dma_start3A_36 = tpu.memref_squeeze %dma_start3A_35 : memref<1x128xi32, #tpu.memory_space<vmem>> -> memref<128xi32, #tpu.memory_space<vmem>>
    %dma_start3A_37 = arith.constant 0 : i32
    %dma_start3A_38 = arith.constant 0 : i32
    %dma_start3A_39 = tpu.memref_slice %arg4[%dma_start3A_37, %dma_start3A_38] : memref<500000x128xf32, #tpu.memory_space<hbm>> -> memref<500000x128xf32, #tpu.memory_space<hbm>>
    tpu.enqueue_indirect_dma source(%dma_start3A_39 : memref<500000x128xf32, #tpu.memory_space<hbm>>) target(%dma_start3A_33 : memref<128x128xf32, #tpu.memory_space<vmem>>) offsets(%dma_start3A_36 : memref<128xi32, #tpu.memory_space<vmem>>) semaphore(%arg12 : memref<!tpu.dma_semaphore, #tpu.memory_space<semaphore_mem>>)
    %dma_start3A_40 = arith.constant 1 : i32
    %dma_start3A_41 = arith.constant 1 : i32
    %dma_start3A_42 = arith.constant 0 : i32
    %dma_start3A_43 = arith.constant 0 : i32
    %dma_start3A_44 = tpu.memref_slice %arg10[%dma_start3A_41, %dma_start3A_42, %dma_start3A_43] : memref<2x128x128xf32, #tpu.memory_space<vmem>> -> memref<1x128x128xf32, #tpu.memory_space<vmem>>
    %dma_start3A_45 = tpu.memref_squeeze %dma_start3A_44 : memref<1x128x128xf32, #tpu.memory_space<vmem>> -> memref<128x128xf32, #tpu.memory_space<vmem>>
    %dma_start3A_46 = arith.constant 0 : i32
    %dma_start3A_47 = tpu.memref_slice %arg7[%dma_start3A_40, %dma_start3A_46] : memref<4x128xi32, #tpu.memory_space<vmem>> -> memref<1x128xi32, #tpu.memory_space<vmem>>
    %dma_start3A_48 = tpu.memref_squeeze %dma_start3A_47 : memref<1x128xi32, #tpu.memory_space<vmem>> -> memref<128xi32, #tpu.memory_space<vmem>>
    %dma_start3A_49 = arith.constant 0 : i32
    %dma_start3A_50 = arith.constant 0 : i32
    %dma_start3A_51 = tpu.memref_slice %arg5[%dma_start3A_49, %dma_start3A_50] : memref<500000x128xf32, #tpu.memory_space<hbm>> -> memref<500000x128xf32, #tpu.memory_space<hbm>>
    tpu.enqueue_indirect_dma source(%dma_start3A_51 : memref<500000x128xf32, #tpu.memory_space<hbm>>) target(%dma_start3A_45 : memref<128x128xf32, #tpu.memory_space<vmem>>) offsets(%dma_start3A_48 : memref<128xi32, #tpu.memory_space<vmem>>) semaphore(%arg13 : memref<!tpu.dma_semaphore, #tpu.memory_space<semaphore_mem>>)
    %dma_wait3A = arith.constant 0 : i32
    %dma_wait3A_52 = arith.constant 0 : i32
    %dma_wait3A_53 = arith.constant 0 : i32
    %dma_wait3A_54 = arith.constant 0 : i32
    %dma_wait3A_55 = tpu.memref_slice %arg9[%dma_wait3A_52, %dma_wait3A_53, %dma_wait3A_54] : memref<2x128x128xf32, #tpu.memory_space<vmem>> -> memref<1x128x128xf32, #tpu.memory_space<vmem>>
    %dma_wait3A_56 = tpu.memref_squeeze %dma_wait3A_55 : memref<1x128x128xf32, #tpu.memory_space<vmem>> -> memref<128x128xf32, #tpu.memory_space<vmem>>
    %dma_wait3A_57 = arith.constant 0 : i32
    %dma_wait3A_58 = tpu.memref_slice %arg7[%dma_wait3A, %dma_wait3A_57] : memref<4x128xi32, #tpu.memory_space<vmem>> -> memref<1x128xi32, #tpu.memory_space<vmem>>
    %dma_wait3A_59 = tpu.memref_squeeze %dma_wait3A_58 : memref<1x128xi32, #tpu.memory_space<vmem>> -> memref<128xi32, #tpu.memory_space<vmem>>
    %dma_wait3A_60 = arith.constant 0 : i32
    %dma_wait3A_61 = arith.constant 0 : i32
    %dma_wait3A_62 = tpu.memref_slice %arg4[%dma_wait3A_60, %dma_wait3A_61] : memref<500000x128xf32, #tpu.memory_space<hbm>> -> memref<500000x128xf32, #tpu.memory_space<hbm>>
    tpu.wait_indirect_dma semaphore(%arg12 : memref<!tpu.dma_semaphore, #tpu.memory_space<semaphore_mem>>) src(%dma_wait3A_62 : memref<500000x128xf32, #tpu.memory_space<hbm>>) dst(%dma_wait3A_56 : memref<128x128xf32, #tpu.memory_space<vmem>>)
    %dma_wait3A_63 = arith.constant 0 : i32
    %dma_wait3A_64 = arith.constant 0 : i32
    %dma_wait3A_65 = arith.constant 0 : i32
    %dma_wait3A_66 = arith.constant 0 : i32
    %dma_wait3A_67 = tpu.memref_slice %arg10[%dma_wait3A_64, %dma_wait3A_65, %dma_wait3A_66] : memref<2x128x128xf32, #tpu.memory_space<vmem>> -> memref<1x128x128xf32, #tpu.memory_space<vmem>>
    %dma_wait3A_68 = tpu.memref_squeeze %dma_wait3A_67 : memref<1x128x128xf32, #tpu.memory_space<vmem>> -> memref<128x128xf32, #tpu.memory_space<vmem>>
    %dma_wait3A_69 = arith.constant 0 : i32
    %dma_wait3A_70 = tpu.memref_slice %arg7[%dma_wait3A_63, %dma_wait3A_69] : memref<4x128xi32, #tpu.memory_space<vmem>> -> memref<1x128xi32, #tpu.memory_space<vmem>>
    %dma_wait3A_71 = tpu.memref_squeeze %dma_wait3A_70 : memref<1x128xi32, #tpu.memory_space<vmem>> -> memref<128xi32, #tpu.memory_space<vmem>>
    %dma_wait3A_72 = arith.constant 0 : i32
    %dma_wait3A_73 = arith.constant 0 : i32
    %dma_wait3A_74 = tpu.memref_slice %arg5[%dma_wait3A_72, %dma_wait3A_73] : memref<500000x128xf32, #tpu.memory_space<hbm>> -> memref<500000x128xf32, #tpu.memory_space<hbm>>
    tpu.wait_indirect_dma semaphore(%arg13 : memref<!tpu.dma_semaphore, #tpu.memory_space<semaphore_mem>>) src(%dma_wait3A_74 : memref<500000x128xf32, #tpu.memory_space<hbm>>) dst(%dma_wait3A_68 : memref<128x128xf32, #tpu.memory_space<vmem>>)
    %scan3A = arith.constant 0 : i32
    %scan3A_75 = arith.constant 0 : i32
    %scan3A_76 = arith.constant 0 : i32
    %scan3A_77 = arith.constant 0 : i32
    %scan3A_78 = arith.constant 128 : i32
    %scan3A_79 = arith.addi %scan3A_77, %scan3A_78 : i32
    %scan3A_80 = arith.constant 1 : i32
    scf.for %scan3A_228 = %scan3A_77 to %scan3A_79 step %scan3A_80  : i32 {
      %broadcast_in_dim3A = arith.constant 0 : i32
      %broadcast_in_dim3A_229 = vector.broadcast %broadcast_in_dim3A : i32 to vector<16xi32>
      %broadcast_in_dim3A_230 = vector.broadcast %scan3A_228 : i32 to vector<16xi32>
      %gather3A = tpu.vector_load_idx %arg8[%broadcast_in_dim3A_229, %broadcast_in_dim3A_230] : memref<4x128xi32, #tpu.memory_space<vmem>>[vector<16xi32>, vector<16xi32>], vector<16xi32>,
      %broadcast_in_dim3A_231 = vector.broadcast %scan3A_228 : i32 to vector<16xi32>
      %add3A_232 = arith.constant 0 : i32
      %add3A_233 = arith.addi %add3A_232, %scan3A_228 : i32
      %jit3A = arith.constant 2 : i32
      %div3A = arith.divsi %add3A_233, %jit3A : i32
      %sign3A = arith.constant 0 : i32
      %sign3A_234 = arith.cmpi sgt, %add3A_233, %sign3A : i32
      %sign3A_235 = arith.extui %sign3A_234 : i1 to i32
      %sign3A_236 = arith.constant 0 : i32
      %sign3A_237 = arith.cmpi slt, %add3A_233, %sign3A_236 : i32
      %sign3A_238 = arith.extui %sign3A_237 : i1 to i32
      %sign3A_239 = arith.subi %sign3A_235, %sign3A_238 : i32
      %sign3A_240 = arith.constant 0 : i32
      %sign3A_241 = arith.cmpi sgt, %jit3A, %sign3A_240 : i32
      %sign3A_242 = arith.extui %sign3A_241 : i1 to i32
      %sign3A_243 = arith.constant 0 : i32
      %sign3A_244 = arith.cmpi slt, %jit3A, %sign3A_243 : i32
      %sign3A_245 = arith.extui %sign3A_244 : i1 to i32
      %sign3A_246 = arith.subi %sign3A_242, %sign3A_245 : i32
      %ne3A = arith.cmpi ne, %sign3A_239, %sign3A_246 : i32
      %rem3A = arith.remsi %add3A_233, %jit3A : i32
      %ne3A_247 = arith.constant 0 : i32
      %ne3A_248 = arith.cmpi ne, %rem3A, %ne3A_247 : i32
      %and3A = arith.andi %ne3A, %ne3A_248 : i1
      %sub3A = arith.constant 1 : i32
      %sub3A_249 = arith.subi %div3A, %sub3A : i32
      %select_n3A = arith.select %and3A, %sub3A_249, %div3A : i32
      %jit3A_250 = arith.constant 2 : i32
      %eq3A = arith.constant 0 : i32
      %eq3A_251 = arith.cmpi eq, %jit3A_250, %eq3A : i32
      %jit3A_252 = arith.constant 1 : i32
      %select_n3A_253 = arith.select %eq3A_251, %jit3A_252, %jit3A_250 : i32
      %rem3A_254 = arith.remsi %add3A_233, %select_n3A_253 : i32
      %ne3A_255 = arith.constant 0 : i32
      %ne3A_256 = arith.cmpi ne, %rem3A_254, %ne3A_255 : i32
      %lt3A = arith.constant 0 : i32
      %lt3A_257 = arith.cmpi slt, %rem3A_254, %lt3A : i32
      %lt3A_258 = arith.constant 0 : i32
      %lt3A_259 = arith.cmpi slt, %select_n3A_253, %lt3A_258 : i32
      %ne3A_260 = arith.xori %lt3A_257, %lt3A_259 : i1
      %and3A_261 = arith.andi %ne3A_260, %ne3A_256 : i1
      %add3A_262 = arith.addi %rem3A_254, %select_n3A_253 : i32
      %select_n3A_263 = arith.select %and3A_261, %add3A_262, %rem3A_254 : i32
      %mul3A_264 = arith.constant 64 : i32
      %mul3A_265 = arith.muli %select_n3A_263, %mul3A_264 : i32
      %add3A_266 = arith.constant 0 : i32
      %add3A_267 = vector.broadcast %add3A_266 : i32 to vector<16xi32>
      %add3A_268 = arith.addi %gather3A, %add3A_267 : vector<16xi32>
      %add3A_269 = arith.addi %add3A_268, %iota3A : vector<16xi32>
      %gather3A_270 = arith.constant 0 : i32
      %gather3A_271 = arith.constant 0 : i32
      %gather3A_272 = tpu.memref_slice %arg9[%scan3A_75, %gather3A_270, %gather3A_271] : memref<2x128x128xf32, #tpu.memory_space<vmem>> -> memref<1x128x128xf32, #tpu.memory_space<vmem>>
      %gather3A_273 = tpu.memref_squeeze %gather3A_272 : memref<1x128x128xf32, #tpu.memory_space<vmem>> -> memref<128x128xf32, #tpu.memory_space<vmem>>
      %gather3A_274 = tpu.vector_load_idx %gather3A_273[%broadcast_in_dim3A_231, %add3A_269] : memref<128x128xf32, #tpu.memory_space<vmem>>[vector<16xi32>, vector<16xi32>], vector<16xf32>,
      %gather3A_275 = arith.constant 0 : i32
      %gather3A_276 = arith.constant 0 : i32
      %gather3A_277 = tpu.memref_slice %arg10[%scan3A_76, %gather3A_275, %gather3A_276] : memref<2x128x128xf32, #tpu.memory_space<vmem>> -> memref<1x128x128xf32, #tpu.memory_space<vmem>>
      %gather3A_278 = tpu.memref_squeeze %gather3A_277 : memref<1x128x128xf32, #tpu.memory_space<vmem>> -> memref<128x128xf32, #tpu.memory_space<vmem>>
      %gather3A_279 = tpu.vector_load_idx %gather3A_278[%broadcast_in_dim3A_231, %add3A_269] : memref<128x128xf32, #tpu.memory_space<vmem>>[vector<16xi32>, vector<16xi32>], vector<16xf32>,
      %add3A_280 = arith.addf %gather3A_274, %gather3A_279 : vector<16xf32>
      %add3A_281 = arith.constant 0 : i32
      %add3A_282 = arith.addi %mul3A_265, %add3A_281 : i32
      %swap3A = arith.index_cast %select_n3A : i32 to index
      %swap3A_283 = arith.index_cast %add3A_282 : i32 to index
      %swap3A_284 = tpu.vector_load %arg11[%swap3A, %swap3A_283] {strides = array<i32>} : memref<256x128xf32, #tpu.memory_space<vmem>>, vector<16xf32>,
      tpu.vector_store %arg11[%swap3A, %swap3A_283], %add3A_280 {strides = array<i32>} : memref<256x128xf32, #tpu.memory_space<vmem>>, vector<16xf32>,
      %add3A_285 = arith.constant 16 : i32
      %add3A_286 = vector.broadcast %add3A_285 : i32 to vector<16xi32>
      %add3A_287 = arith.addi %gather3A, %add3A_286 : vector<16xi32>
      %add3A_288 = arith.addi %add3A_287, %iota3A : vector<16xi32>
      %gather3A_289 = arith.constant 0 : i32
      %gather3A_290 = arith.constant 0 : i32
      %gather3A_291 = tpu.memref_slice %arg9[%scan3A_75, %gather3A_289, %gather3A_290] : memref<2x128x128xf32, #tpu.memory_space<vmem>> -> memref<1x128x128xf32, #tpu.memory_space<vmem>>
      %gather3A_292 = tpu.memref_squeeze %gather3A_291 : memref<1x128x128xf32, #tpu.memory_space<vmem>> -> memref<128x128xf32, #tpu.memory_space<vmem>>
      %gather3A_293 = tpu.vector_load_idx %gather3A_292[%broadcast_in_dim3A_231, %add3A_288] : memref<128x128xf32, #tpu.memory_space<vmem>>[vector<16xi32>, vector<16xi32>], vector<16xf32>,
      %gather3A_294 = arith.constant 0 : i32
      %gather3A_295 = arith.constant 0 : i32
      %gather3A_296 = tpu.memref_slice %arg10[%scan3A_76, %gather3A_294, %gather3A_295] : memref<2x128x128xf32, #tpu.memory_space<vmem>> -> memref<1x128x128xf32, #tpu.memory_space<vmem>>
      %gather3A_297 = tpu.memref_squeeze %gather3A_296 : memref<1x128x128xf32, #tpu.memory_space<vmem>> -> memref<128x128xf32, #tpu.memory_space<vmem>>
      %gather3A_298 = tpu.vector_load_idx %gather3A_297[%broadcast_in_dim3A_231, %add3A_288] : memref<128x128xf32, #tpu.memory_space<vmem>>[vector<16xi32>, vector<16xi32>], vector<16xf32>,
      %add3A_299 = arith.addf %gather3A_293, %gather3A_298 : vector<16xf32>
      %add3A_300 = arith.constant 16 : i32
      %add3A_301 = arith.addi %mul3A_265, %add3A_300 : i32
      %swap3A_302 = arith.index_cast %select_n3A : i32 to index
      %swap3A_303 = arith.index_cast %add3A_301 : i32 to index
      %swap3A_304 = tpu.vector_load %arg11[%swap3A_302, %swap3A_303] {strides = array<i32>} : memref<256x128xf32, #tpu.memory_space<vmem>>, vector<16xf32>,
      tpu.vector_store %arg11[%swap3A_302, %swap3A_303], %add3A_299 {strides = array<i32>} : memref<256x128xf32, #tpu.memory_space<vmem>>, vector<16xf32>,
      %add3A_305 = arith.constant 32 : i32
      %add3A_306 = vector.broadcast %add3A_305 : i32 to vector<16xi32>
      %add3A_307 = arith.addi %gather3A, %add3A_306 : vector<16xi32>
      %add3A_308 = arith.addi %add3A_307, %iota3A : vector<16xi32>
      %gather3A_309 = arith.constant 0 : i32
      %gather3A_310 = arith.constant 0 : i32
      %gather3A_311 = tpu.memref_slice %arg9[%scan3A_75, %gather3A_309, %gather3A_310] : memref<2x128x128xf32, #tpu.memory_space<vmem>> -> memref<1x128x128xf32, #tpu.memory_space<vmem>>
      %gather3A_312 = tpu.memref_squeeze %gather3A_311 : memref<1x128x128xf32, #tpu.memory_space<vmem>> -> memref<128x128xf32, #tpu.memory_space<vmem>>
      %gather3A_313 = tpu.vector_load_idx %gather3A_312[%broadcast_in_dim3A_231, %add3A_308] : memref<128x128xf32, #tpu.memory_space<vmem>>[vector<16xi32>, vector<16xi32>], vector<16xf32>,
      %gather3A_314 = arith.constant 0 : i32
      %gather3A_315 = arith.constant 0 : i32
      %gather3A_316 = tpu.memref_slice %arg10[%scan3A_76, %gather3A_314, %gather3A_315] : memref<2x128x128xf32, #tpu.memory_space<vmem>> -> memref<1x128x128xf32, #tpu.memory_space<vmem>>
      %gather3A_317 = tpu.memref_squeeze %gather3A_316 : memref<1x128x128xf32, #tpu.memory_space<vmem>> -> memref<128x128xf32, #tpu.memory_space<vmem>>
      %gather3A_318 = tpu.vector_load_idx %gather3A_317[%broadcast_in_dim3A_231, %add3A_308] : memref<128x128xf32, #tpu.memory_space<vmem>>[vector<16xi32>, vector<16xi32>], vector<16xf32>,
      %add3A_319 = arith.addf %gather3A_313, %gather3A_318 : vector<16xf32>
      %add3A_320 = arith.constant 32 : i32
      %add3A_321 = arith.addi %mul3A_265, %add3A_320 : i32
      %swap3A_322 = arith.index_cast %select_n3A : i32 to index
      %swap3A_323 = arith.index_cast %add3A_321 : i32 to index
      %swap3A_324 = tpu.vector_load %arg11[%swap3A_322, %swap3A_323] {strides = array<i32>} : memref<256x128xf32, #tpu.memory_space<vmem>>, vector<16xf32>,
      tpu.vector_store %arg11[%swap3A_322, %swap3A_323], %add3A_319 {strides = array<i32>} : memref<256x128xf32, #tpu.memory_space<vmem>>, vector<16xf32>,
      %add3A_325 = arith.constant 48 : i32
      %add3A_326 = vector.broadcast %add3A_325 : i32 to vector<16xi32>
      %add3A_327 = arith.addi %gather3A, %add3A_326 : vector<16xi32>
      %add3A_328 = arith.addi %add3A_327, %iota3A : vector<16xi32>
      %gather3A_329 = arith.constant 0 : i32
      %gather3A_330 = arith.constant 0 : i32
      %gather3A_331 = tpu.memref_slice %arg9[%scan3A_75, %gather3A_329, %gather3A_330] : memref<2x128x128xf32, #tpu.memory_space<vmem>> -> memref<1x128x128xf32, #tpu.memory_space<vmem>>
      %gather3A_332 = tpu.memref_squeeze %gather3A_331 : memref<1x128x128xf32, #tpu.memory_space<vmem>> -> memref<128x128xf32, #tpu.memory_space<vmem>>
      %gather3A_333 = tpu.vector_load_idx %gather3A_332[%broadcast_in_dim3A_231, %add3A_328] : memref<128x128xf32, #tpu.memory_space<vmem>>[vector<16xi32>, vector<16xi32>], vector<16xf32>,
      %gather3A_334 = arith.constant 0 : i32
      %gather3A_335 = arith.constant 0 : i32
      %gather3A_336 = tpu.memref_slice %arg10[%scan3A_76, %gather3A_334, %gather3A_335] : memref<2x128x128xf32, #tpu.memory_space<vmem>> -> memref<1x128x128xf32, #tpu.memory_space<vmem>>
      %gather3A_337 = tpu.memref_squeeze %gather3A_336 : memref<1x128x128xf32, #tpu.memory_space<vmem>> -> memref<128x128xf32, #tpu.memory_space<vmem>>
      %gather3A_338 = tpu.vector_load_idx %gather3A_337[%broadcast_in_dim3A_231, %add3A_328] : memref<128x128xf32, #tpu.memory_space<vmem>>[vector<16xi32>, vector<16xi32>], vector<16xf32>,
      %add3A_339 = arith.addf %gather3A_333, %gather3A_338 : vector<16xf32>
      %add3A_340 = arith.constant 48 : i32
      %add3A_341 = arith.addi %mul3A_265, %add3A_340 : i32
      %swap3A_342 = arith.index_cast %select_n3A : i32 to index
      %swap3A_343 = arith.index_cast %add3A_341 : i32 to index
      %swap3A_344 = tpu.vector_load %arg11[%swap3A_342, %swap3A_343] {strides = array<i32>} : memref<256x128xf32, #tpu.memory_space<vmem>>, vector<16xf32>,
      tpu.vector_store %arg11[%swap3A_342, %swap3A_343], %add3A_339 {strides = array<i32>} : memref<256x128xf32, #tpu.memory_space<vmem>>, vector<16xf32>,
    }
    %scan3A_81 = arith.constant 128 : i32
    %dma_start3A_82 = arith.constant 2 : i32
    %dma_start3A_83 = arith.constant 0 : i32
    %dma_start3A_84 = arith.constant 0 : i32
    %dma_start3A_85 = arith.constant 0 : i32
    %dma_start3A_86 = tpu.memref_slice %arg9[%dma_start3A_83, %dma_start3A_84, %dma_start3A_85] : memref<2x128x128xf32, #tpu.memory_space<vmem>> -> memref<1x128x128xf32, #tpu.memory_space<vmem>>
    %dma_start3A_87 = tpu.memref_squeeze %dma_start3A_86 : memref<1x128x128xf32, #tpu.memory_space<vmem>> -> memref<128x128xf32, #tpu.memory_space<vmem>>
    %dma_start3A_88 = arith.constant 0 : i32
    %dma_start3A_89 = tpu.memref_slice %arg7[%dma_start3A_82, %dma_start3A_88] : memref<4x128xi32, #tpu.memory_space<vmem>> -> memref<1x128xi32, #tpu.memory_space<vmem>>
    %dma_start3A_90 = tpu.memref_squeeze %dma_start3A_89 : memref<1x128xi32, #tpu.memory_space<vmem>> -> memref<128xi32, #tpu.memory_space<vmem>>
    %dma_start3A_91 = arith.constant 0 : i32
    %dma_start3A_92 = arith.constant 0 : i32
    %dma_start3A_93 = tpu.memref_slice %arg4[%dma_start3A_91, %dma_start3A_92] : memref<500000x128xf32, #tpu.memory_space<hbm>> -> memref<500000x128xf32, #tpu.memory_space<hbm>>
    tpu.enqueue_indirect_dma source(%dma_start3A_93 : memref<500000x128xf32, #tpu.memory_space<hbm>>) target(%dma_start3A_87 : memref<128x128xf32, #tpu.memory_space<vmem>>) offsets(%dma_start3A_90 : memref<128xi32, #tpu.memory_space<vmem>>) semaphore(%arg12 : memref<!tpu.dma_semaphore, #tpu.memory_space<semaphore_mem>>)
    %dma_start3A_94 = arith.constant 2 : i32
    %dma_start3A_95 = arith.constant 0 : i32
    %dma_start3A_96 = arith.constant 0 : i32
    %dma_start3A_97 = arith.constant 0 : i32
    %dma_start3A_98 = tpu.memref_slice %arg10[%dma_start3A_95, %dma_start3A_96, %dma_start3A_97] : memref<2x128x128xf32, #tpu.memory_space<vmem>> -> memref<1x128x128xf32, #tpu.memory_space<vmem>>
    %dma_start3A_99 = tpu.memref_squeeze %dma_start3A_98 : memref<1x128x128xf32, #tpu.memory_space<vmem>> -> memref<128x128xf32, #tpu.memory_space<vmem>>
    %dma_start3A_100 = arith.constant 0 : i32
    %dma_start3A_101 = tpu.memref_slice %arg7[%dma_start3A_94, %dma_start3A_100] : memref<4x128xi32, #tpu.memory_space<vmem>> -> memref<1x128xi32, #tpu.memory_space<vmem>>
    %dma_start3A_102 = tpu.memref_squeeze %dma_start3A_101 : memref<1x128xi32, #tpu.memory_space<vmem>> -> memref<128xi32, #tpu.memory_space<vmem>>
    %dma_start3A_103 = arith.constant 0 : i32
    %dma_start3A_104 = arith.constant 0 : i32
    %dma_start3A_105 = tpu.memref_slice %arg5[%dma_start3A_103, %dma_start3A_104] : memref<500000x128xf32, #tpu.memory_space<hbm>> -> memref<500000x128xf32, #tpu.memory_space<hbm>>
    tpu.enqueue_indirect_dma source(%dma_start3A_105 : memref<500000x128xf32, #tpu.memory_space<hbm>>) target(%dma_start3A_99 : memref<128x128xf32, #tpu.memory_space<vmem>>) offsets(%dma_start3A_102 : memref<128xi32, #tpu.memory_space<vmem>>) semaphore(%arg13 : memref<!tpu.dma_semaphore, #tpu.memory_space<semaphore_mem>>)
    %dma_wait3A_106 = arith.constant 1 : i32
    %dma_wait3A_107 = arith.constant 1 : i32
    %dma_wait3A_108 = arith.constant 0 : i32
    %dma_wait3A_109 = arith.constant 0 : i32
    %dma_wait3A_110 = tpu.memref_slice %arg9[%dma_wait3A_107, %dma_wait3A_108, %dma_wait3A_109] : memref<2x128x128xf32, #tpu.memory_space<vmem>> -> memref<1x128x128xf32, #tpu.memory_space<vmem>>
    %dma_wait3A_111 = tpu.memref_squeeze %dma_wait3A_110 : memref<1x128x128xf32, #tpu.memory_space<vmem>> -> memref<128x128xf32, #tpu.memory_space<vmem>>
    %dma_wait3A_112 = arith.constant 0 : i32
    %dma_wait3A_113 = tpu.memref_slice %arg7[%dma_wait3A_106, %dma_wait3A_112] : memref<4x128xi32, #tpu.memory_space<vmem>> -> memref<1x128xi32, #tpu.memory_space<vmem>>
    %dma_wait3A_114 = tpu.memref_squeeze %dma_wait3A_113 : memref<1x128xi32, #tpu.memory_space<vmem>> -> memref<128xi32, #tpu.memory_space<vmem>>
    %dma_wait3A_115 = arith.constant 0 : i32
    %dma_wait3A_116 = arith.constant 0 : i32
    %dma_wait3A_117 = tpu.memref_slice %arg4[%dma_wait3A_115, %dma_wait3A_116] : memref<500000x128xf32, #tpu.memory_space<hbm>> -> memref<500000x128xf32, #tpu.memory_space<hbm>>
    tpu.wait_indirect_dma semaphore(%arg12 : memref<!tpu.dma_semaphore, #tpu.memory_space<semaphore_mem>>) src(%dma_wait3A_117 : memref<500000x128xf32, #tpu.memory_space<hbm>>) dst(%dma_wait3A_111 : memref<128x128xf32, #tpu.memory_space<vmem>>)
    %dma_wait3A_118 = arith.constant 1 : i32
    %dma_wait3A_119 = arith.constant 1 : i32
    %dma_wait3A_120 = arith.constant 0 : i32
    %dma_wait3A_121 = arith.constant 0 : i32
    %dma_wait3A_122 = tpu.memref_slice %arg10[%dma_wait3A_119, %dma_wait3A_120, %dma_wait3A_121] : memref<2x128x128xf32, #tpu.memory_space<vmem>> -> memref<1x128x128xf32, #tpu.memory_space<vmem>>
    %dma_wait3A_123 = tpu.memref_squeeze %dma_wait3A_122 : memref<1x128x128xf32, #tpu.memory_space<vmem>> -> memref<128x128xf32, #tpu.memory_space<vmem>>
    %dma_wait3A_124 = arith.constant 0 : i32
    %dma_wait3A_125 = tpu.memref_slice %arg7[%dma_wait3A_118, %dma_wait3A_124] : memref<4x128xi32, #tpu.memory_space<vmem>> -> memref<1x128xi32, #tpu.memory_space<vmem>>
    %dma_wait3A_126 = tpu.memref_squeeze %dma_wait3A_125 : memref<1x128xi32, #tpu.memory_space<vmem>> -> memref<128xi32, #tpu.memory_space<vmem>>
    %dma_wait3A_127 = arith.constant 0 : i32
    %dma_wait3A_128 = arith.constant 0 : i32
    %dma_wait3A_129 = tpu.memref_slice %arg5[%dma_wait3A_127, %dma_wait3A_128] : memref<500000x128xf32, #tpu.memory_space<hbm>> -> memref<500000x128xf32, #tpu.memory_space<hbm>>
    tpu.wait_indirect_dma semaphore(%arg13 : memref<!tpu.dma_semaphore, #tpu.memory_space<semaphore_mem>>) src(%dma_wait3A_129 : memref<500000x128xf32, #tpu.memory_space<hbm>>) dst(%dma_wait3A_123 : memref<128x128xf32, #tpu.memory_space<vmem>>)
    %scan3A_130 = arith.constant 0 : i32
    %scan3A_131 = arith.constant 1 : i32
    %scan3A_132 = arith.constant 1 : i32
    %scan3A_133 = arith.constant 0 : i32
    %scan3A_134 = arith.constant 128 : i32
    %scan3A_135 = arith.addi %scan3A_133, %scan3A_134 : i32
    %scan3A_136 = arith.constant 1 : i32
    scf.for %scan3A_228 = %scan3A_133 to %scan3A_135 step %scan3A_136  : i32 {
      %broadcast_in_dim3A = arith.constant 1 : i32
      %broadcast_in_dim3A_229 = vector.broadcast %broadcast_in_dim3A : i32 to vector<16xi32>
      %broadcast_in_dim3A_230 = vector.broadcast %scan3A_228 : i32 to vector<16xi32>
      %gather3A = tpu.vector_load_idx %arg8[%broadcast_in_dim3A_229, %broadcast_in_dim3A_230] : memref<4x128xi32, #tpu.memory_space<vmem>>[vector<16xi32>, vector<16xi32>], vector<16xi32>,
      %broadcast_in_dim3A_231 = vector.broadcast %scan3A_228 : i32 to vector<16xi32>
      %add3A_232 = arith.constant 128 : i32
      %add3A_233 = arith.addi %add3A_232, %scan3A_228 : i32
      %jit3A = arith.constant 2 : i32
      %div3A = arith.divsi %add3A_233, %jit3A : i32
      %sign3A = arith.constant 0 : i32
      %sign3A_234 = arith.cmpi sgt, %add3A_233, %sign3A : i32
      %sign3A_235 = arith.extui %sign3A_234 : i1 to i32
      %sign3A_236 = arith.constant 0 : i32
      %sign3A_237 = arith.cmpi slt, %add3A_233, %sign3A_236 : i32
      %sign3A_238 = arith.extui %sign3A_237 : i1 to i32
      %sign3A_239 = arith.subi %sign3A_235, %sign3A_238 : i32
      %sign3A_240 = arith.constant 0 : i32
      %sign3A_241 = arith.cmpi sgt, %jit3A, %sign3A_240 : i32
      %sign3A_242 = arith.extui %sign3A_241 : i1 to i32
      %sign3A_243 = arith.constant 0 : i32
      %sign3A_244 = arith.cmpi slt, %jit3A, %sign3A_243 : i32
      %sign3A_245 = arith.extui %sign3A_244 : i1 to i32
      %sign3A_246 = arith.subi %sign3A_242, %sign3A_245 : i32
      %ne3A = arith.cmpi ne, %sign3A_239, %sign3A_246 : i32
      %rem3A = arith.remsi %add3A_233, %jit3A : i32
      %ne3A_247 = arith.constant 0 : i32
      %ne3A_248 = arith.cmpi ne, %rem3A, %ne3A_247 : i32
      %and3A = arith.andi %ne3A, %ne3A_248 : i1
      %sub3A = arith.constant 1 : i32
      %sub3A_249 = arith.subi %div3A, %sub3A : i32
      %select_n3A = arith.select %and3A, %sub3A_249, %div3A : i32
      %jit3A_250 = arith.constant 2 : i32
      %eq3A = arith.constant 0 : i32
      %eq3A_251 = arith.cmpi eq, %jit3A_250, %eq3A : i32
      %jit3A_252 = arith.constant 1 : i32
      %select_n3A_253 = arith.select %eq3A_251, %jit3A_252, %jit3A_250 : i32
      %rem3A_254 = arith.remsi %add3A_233, %select_n3A_253 : i32
      %ne3A_255 = arith.constant 0 : i32
      %ne3A_256 = arith.cmpi ne, %rem3A_254, %ne3A_255 : i32
      %lt3A = arith.constant 0 : i32
      %lt3A_257 = arith.cmpi slt, %rem3A_254, %lt3A : i32
      %lt3A_258 = arith.constant 0 : i32
      %lt3A_259 = arith.cmpi slt, %select_n3A_253, %lt3A_258 : i32
      %ne3A_260 = arith.xori %lt3A_257, %lt3A_259 : i1
      %and3A_261 = arith.andi %ne3A_260, %ne3A_256 : i1
      %add3A_262 = arith.addi %rem3A_254, %select_n3A_253 : i32
      %select_n3A_263 = arith.select %and3A_261, %add3A_262, %rem3A_254 : i32
      %mul3A_264 = arith.constant 64 : i32
      %mul3A_265 = arith.muli %select_n3A_263, %mul3A_264 : i32
      %add3A_266 = arith.constant 0 : i32
      %add3A_267 = vector.broadcast %add3A_266 : i32 to vector<16xi32>
      %add3A_268 = arith.addi %gather3A, %add3A_267 : vector<16xi32>
      %add3A_269 = arith.addi %add3A_268, %iota3A : vector<16xi32>
      %gather3A_270 = arith.constant 0 : i32
      %gather3A_271 = arith.constant 0 : i32
      %gather3A_272 = tpu.memref_slice %arg9[%scan3A_131, %gather3A_270, %gather3A_271] : memref<2x128x128xf32, #tpu.memory_space<vmem>> -> memref<1x128x128xf32, #tpu.memory_space<vmem>>
      %gather3A_273 = tpu.memref_squeeze %gather3A_272 : memref<1x128x128xf32, #tpu.memory_space<vmem>> -> memref<128x128xf32, #tpu.memory_space<vmem>>
      %gather3A_274 = tpu.vector_load_idx %gather3A_273[%broadcast_in_dim3A_231, %add3A_269] : memref<128x128xf32, #tpu.memory_space<vmem>>[vector<16xi32>, vector<16xi32>], vector<16xf32>,
      %gather3A_275 = arith.constant 0 : i32
      %gather3A_276 = arith.constant 0 : i32
      %gather3A_277 = tpu.memref_slice %arg10[%scan3A_132, %gather3A_275, %gather3A_276] : memref<2x128x128xf32, #tpu.memory_space<vmem>> -> memref<1x128x128xf32, #tpu.memory_space<vmem>>
      %gather3A_278 = tpu.memref_squeeze %gather3A_277 : memref<1x128x128xf32, #tpu.memory_space<vmem>> -> memref<128x128xf32, #tpu.memory_space<vmem>>
      %gather3A_279 = tpu.vector_load_idx %gather3A_278[%broadcast_in_dim3A_231, %add3A_269] : memref<128x128xf32, #tpu.memory_space<vmem>>[vector<16xi32>, vector<16xi32>], vector<16xf32>,
      %add3A_280 = arith.addf %gather3A_274, %gather3A_279 : vector<16xf32>
      %add3A_281 = arith.constant 0 : i32
      %add3A_282 = arith.addi %mul3A_265, %add3A_281 : i32
      %swap3A = arith.index_cast %select_n3A : i32 to index
      %swap3A_283 = arith.index_cast %add3A_282 : i32 to index
      %swap3A_284 = tpu.vector_load %arg11[%swap3A, %swap3A_283] {strides = array<i32>} : memref<256x128xf32, #tpu.memory_space<vmem>>, vector<16xf32>,
      tpu.vector_store %arg11[%swap3A, %swap3A_283], %add3A_280 {strides = array<i32>} : memref<256x128xf32, #tpu.memory_space<vmem>>, vector<16xf32>,
      %add3A_285 = arith.constant 16 : i32
      %add3A_286 = vector.broadcast %add3A_285 : i32 to vector<16xi32>
      %add3A_287 = arith.addi %gather3A, %add3A_286 : vector<16xi32>
      %add3A_288 = arith.addi %add3A_287, %iota3A : vector<16xi32>
      %gather3A_289 = arith.constant 0 : i32
      %gather3A_290 = arith.constant 0 : i32
      %gather3A_291 = tpu.memref_slice %arg9[%scan3A_131, %gather3A_289, %gather3A_290] : memref<2x128x128xf32, #tpu.memory_space<vmem>> -> memref<1x128x128xf32, #tpu.memory_space<vmem>>
      %gather3A_292 = tpu.memref_squeeze %gather3A_291 : memref<1x128x128xf32, #tpu.memory_space<vmem>> -> memref<128x128xf32, #tpu.memory_space<vmem>>
      %gather3A_293 = tpu.vector_load_idx %gather3A_292[%broadcast_in_dim3A_231, %add3A_288] : memref<128x128xf32, #tpu.memory_space<vmem>>[vector<16xi32>, vector<16xi32>], vector<16xf32>,
      %gather3A_294 = arith.constant 0 : i32
      %gather3A_295 = arith.constant 0 : i32
      %gather3A_296 = tpu.memref_slice %arg10[%scan3A_132, %gather3A_294, %gather3A_295] : memref<2x128x128xf32, #tpu.memory_space<vmem>> -> memref<1x128x128xf32, #tpu.memory_space<vmem>>
      %gather3A_297 = tpu.memref_squeeze %gather3A_296 : memref<1x128x128xf32, #tpu.memory_space<vmem>> -> memref<128x128xf32, #tpu.memory_space<vmem>>
      %gather3A_298 = tpu.vector_load_idx %gather3A_297[%broadcast_in_dim3A_231, %add3A_288] : memref<128x128xf32, #tpu.memory_space<vmem>>[vector<16xi32>, vector<16xi32>], vector<16xf32>,
      %add3A_299 = arith.addf %gather3A_293, %gather3A_298 : vector<16xf32>
      %add3A_300 = arith.constant 16 : i32
      %add3A_301 = arith.addi %mul3A_265, %add3A_300 : i32
      %swap3A_302 = arith.index_cast %select_n3A : i32 to index
      %swap3A_303 = arith.index_cast %add3A_301 : i32 to index
      %swap3A_304 = tpu.vector_load %arg11[%swap3A_302, %swap3A_303] {strides = array<i32>} : memref<256x128xf32, #tpu.memory_space<vmem>>, vector<16xf32>,
      tpu.vector_store %arg11[%swap3A_302, %swap3A_303], %add3A_299 {strides = array<i32>} : memref<256x128xf32, #tpu.memory_space<vmem>>, vector<16xf32>,
      %add3A_305 = arith.constant 32 : i32
      %add3A_306 = vector.broadcast %add3A_305 : i32 to vector<16xi32>
      %add3A_307 = arith.addi %gather3A, %add3A_306 : vector<16xi32>
      %add3A_308 = arith.addi %add3A_307, %iota3A : vector<16xi32>
      %gather3A_309 = arith.constant 0 : i32
      %gather3A_310 = arith.constant 0 : i32
      %gather3A_311 = tpu.memref_slice %arg9[%scan3A_131, %gather3A_309, %gather3A_310] : memref<2x128x128xf32, #tpu.memory_space<vmem>> -> memref<1x128x128xf32, #tpu.memory_space<vmem>>
      %gather3A_312 = tpu.memref_squeeze %gather3A_311 : memref<1x128x128xf32, #tpu.memory_space<vmem>> -> memref<128x128xf32, #tpu.memory_space<vmem>>
      %gather3A_313 = tpu.vector_load_idx %gather3A_312[%broadcast_in_dim3A_231, %add3A_308] : memref<128x128xf32, #tpu.memory_space<vmem>>[vector<16xi32>, vector<16xi32>], vector<16xf32>,
      %gather3A_314 = arith.constant 0 : i32
      %gather3A_315 = arith.constant 0 : i32
      %gather3A_316 = tpu.memref_slice %arg10[%scan3A_132, %gather3A_314, %gather3A_315] : memref<2x128x128xf32, #tpu.memory_space<vmem>> -> memref<1x128x128xf32, #tpu.memory_space<vmem>>
      %gather3A_317 = tpu.memref_squeeze %gather3A_316 : memref<1x128x128xf32, #tpu.memory_space<vmem>> -> memref<128x128xf32, #tpu.memory_space<vmem>>
      %gather3A_318 = tpu.vector_load_idx %gather3A_317[%broadcast_in_dim3A_231, %add3A_308] : memref<128x128xf32, #tpu.memory_space<vmem>>[vector<16xi32>, vector<16xi32>], vector<16xf32>,
      %add3A_319 = arith.addf %gather3A_313, %gather3A_318 : vector<16xf32>
      %add3A_320 = arith.constant 32 : i32
      %add3A_321 = arith.addi %mul3A_265, %add3A_320 : i32
      %swap3A_322 = arith.index_cast %select_n3A : i32 to index
      %swap3A_323 = arith.index_cast %add3A_321 : i32 to index
      %swap3A_324 = tpu.vector_load %arg11[%swap3A_322, %swap3A_323] {strides = array<i32>} : memref<256x128xf32, #tpu.memory_space<vmem>>, vector<16xf32>,
      tpu.vector_store %arg11[%swap3A_322, %swap3A_323], %add3A_319 {strides = array<i32>} : memref<256x128xf32, #tpu.memory_space<vmem>>, vector<16xf32>,
      %add3A_325 = arith.constant 48 : i32
      %add3A_326 = vector.broadcast %add3A_325 : i32 to vector<16xi32>
      %add3A_327 = arith.addi %gather3A, %add3A_326 : vector<16xi32>
      %add3A_328 = arith.addi %add3A_327, %iota3A : vector<16xi32>
      %gather3A_329 = arith.constant 0 : i32
      %gather3A_330 = arith.constant 0 : i32
      %gather3A_331 = tpu.memref_slice %arg9[%scan3A_131, %gather3A_329, %gather3A_330] : memref<2x128x128xf32, #tpu.memory_space<vmem>> -> memref<1x128x128xf32, #tpu.memory_space<vmem>>
      %gather3A_332 = tpu.memref_squeeze %gather3A_331 : memref<1x128x128xf32, #tpu.memory_space<vmem>> -> memref<128x128xf32, #tpu.memory_space<vmem>>
      %gather3A_333 = tpu.vector_load_idx %gather3A_332[%broadcast_in_dim3A_231, %add3A_328] : memref<128x128xf32, #tpu.memory_space<vmem>>[vector<16xi32>, vector<16xi32>], vector<16xf32>,
      %gather3A_334 = arith.constant 0 : i32
      %gather3A_335 = arith.constant 0 : i32
      %gather3A_336 = tpu.memref_slice %arg10[%scan3A_132, %gather3A_334, %gather3A_335] : memref<2x128x128xf32, #tpu.memory_space<vmem>> -> memref<1x128x128xf32, #tpu.memory_space<vmem>>
      %gather3A_337 = tpu.memref_squeeze %gather3A_336 : memref<1x128x128xf32, #tpu.memory_space<vmem>> -> memref<128x128xf32, #tpu.memory_space<vmem>>
      %gather3A_338 = tpu.vector_load_idx %gather3A_337[%broadcast_in_dim3A_231, %add3A_328] : memref<128x128xf32, #tpu.memory_space<vmem>>[vector<16xi32>, vector<16xi32>], vector<16xf32>,
      %add3A_339 = arith.addf %gather3A_333, %gather3A_338 : vector<16xf32>
      %add3A_340 = arith.constant 48 : i32
      %add3A_341 = arith.addi %mul3A_265, %add3A_340 : i32
      %swap3A_342 = arith.index_cast %select_n3A : i32 to index
      %swap3A_343 = arith.index_cast %add3A_341 : i32 to index
      %swap3A_344 = tpu.vector_load %arg11[%swap3A_342, %swap3A_343] {strides = array<i32>} : memref<256x128xf32, #tpu.memory_space<vmem>>, vector<16xf32>,
      tpu.vector_store %arg11[%swap3A_342, %swap3A_343], %add3A_339 {strides = array<i32>} : memref<256x128xf32, #tpu.memory_space<vmem>>, vector<16xf32>,
    }
    %scan3A_137 = arith.constant 128 : i32
    %dma_start3A_138 = arith.constant 3 : i32
    %dma_start3A_139 = arith.constant 1 : i32
    %dma_start3A_140 = arith.constant 0 : i32
    %dma_start3A_141 = arith.constant 0 : i32
    %dma_start3A_142 = tpu.memref_slice %arg9[%dma_start3A_139, %dma_start3A_140, %dma_start3A_141] : memref<2x128x128xf32, #tpu.memory_space<vmem>> -> memref<1x128x128xf32, #tpu.memory_space<vmem>>
    %dma_start3A_143 = tpu.memref_squeeze %dma_start3A_142 : memref<1x128x128xf32, #tpu.memory_space<vmem>> -> memref<128x128xf32, #tpu.memory_space<vmem>>
    %dma_start3A_144 = arith.constant 0 : i32
    %dma_start3A_145 = tpu.memref_slice %arg7[%dma_start3A_138, %dma_start3A_144] : memref<4x128xi32, #tpu.memory_space<vmem>> -> memref<1x128xi32, #tpu.memory_space<vmem>>
    %dma_start3A_146 = tpu.memref_squeeze %dma_start3A_145 : memref<1x128xi32, #tpu.memory_space<vmem>> -> memref<128xi32, #tpu.memory_space<vmem>>
    %dma_start3A_147 = arith.constant 0 : i32
    %dma_start3A_148 = arith.constant 0 : i32
    %dma_start3A_149 = tpu.memref_slice %arg4[%dma_start3A_147, %dma_start3A_148] : memref<500000x128xf32, #tpu.memory_space<hbm>> -> memref<500000x128xf32, #tpu.memory_space<hbm>>
    tpu.enqueue_indirect_dma source(%dma_start3A_149 : memref<500000x128xf32, #tpu.memory_space<hbm>>) target(%dma_start3A_143 : memref<128x128xf32, #tpu.memory_space<vmem>>) offsets(%dma_start3A_146 : memref<128xi32, #tpu.memory_space<vmem>>) semaphore(%arg12 : memref<!tpu.dma_semaphore, #tpu.memory_space<semaphore_mem>>)
    %dma_start3A_150 = arith.constant 3 : i32
    %dma_start3A_151 = arith.constant 1 : i32
    %dma_start3A_152 = arith.constant 0 : i32
    %dma_start3A_153 = arith.constant 0 : i32
    %dma_start3A_154 = tpu.memref_slice %arg10[%dma_start3A_151, %dma_start3A_152, %dma_start3A_153] : memref<2x128x128xf32, #tpu.memory_space<vmem>> -> memref<1x128x128xf32, #tpu.memory_space<vmem>>
    %dma_start3A_155 = tpu.memref_squeeze %dma_start3A_154 : memref<1x128x128xf32, #tpu.memory_space<vmem>> -> memref<128x128xf32, #tpu.memory_space<vmem>>
    %dma_start3A_156 = arith.constant 0 : i32
    %dma_start3A_157 = tpu.memref_slice %arg7[%dma_start3A_150, %dma_start3A_156] : memref<4x128xi32, #tpu.memory_space<vmem>> -> memref<1x128xi32, #tpu.memory_space<vmem>>
    %dma_start3A_158 = tpu.memref_squeeze %dma_start3A_157 : memref<1x128xi32, #tpu.memory_space<vmem>> -> memref<128xi32, #tpu.memory_space<vmem>>
    %dma_start3A_159 = arith.constant 0 : i32
    %dma_start3A_160 = arith.constant 0 : i32
    %dma_start3A_161 = tpu.memref_slice %arg5[%dma_start3A_159, %dma_start3A_160] : memref<500000x128xf32, #tpu.memory_space<hbm>> -> memref<500000x128xf32, #tpu.memory_space<hbm>>
    tpu.enqueue_indirect_dma source(%dma_start3A_161 : memref<500000x128xf32, #tpu.memory_space<hbm>>) target(%dma_start3A_155 : memref<128x128xf32, #tpu.memory_space<vmem>>) offsets(%dma_start3A_158 : memref<128xi32, #tpu.memory_space<vmem>>) semaphore(%arg13 : memref<!tpu.dma_semaphore, #tpu.memory_space<semaphore_mem>>)
    %dma_wait3A_162 = arith.constant 2 : i32
    %dma_wait3A_163 = arith.constant 0 : i32
    %dma_wait3A_164 = arith.constant 0 : i32
    %dma_wait3A_165 = arith.constant 0 : i32
    %dma_wait3A_166 = tpu.memref_slice %arg9[%dma_wait3A_163, %dma_wait3A_164, %dma_wait3A_165] : memref<2x128x128xf32, #tpu.memory_space<vmem>> -> memref<1x128x128xf32, #tpu.memory_space<vmem>>
    %dma_wait3A_167 = tpu.memref_squeeze %dma_wait3A_166 : memref<1x128x128xf32, #tpu.memory_space<vmem>> -> memref<128x128xf32, #tpu.memory_space<vmem>>
    %dma_wait3A_168 = arith.constant 0 : i32
    %dma_wait3A_169 = tpu.memref_slice %arg7[%dma_wait3A_162, %dma_wait3A_168] : memref<4x128xi32, #tpu.memory_space<vmem>> -> memref<1x128xi32, #tpu.memory_space<vmem>>
    %dma_wait3A_170 = tpu.memref_squeeze %dma_wait3A_169 : memref<1x128xi32, #tpu.memory_space<vmem>> -> memref<128xi32, #tpu.memory_space<vmem>>
    %dma_wait3A_171 = arith.constant 0 : i32
    %dma_wait3A_172 = arith.constant 0 : i32
    %dma_wait3A_173 = tpu.memref_slice %arg4[%dma_wait3A_171, %dma_wait3A_172] : memref<500000x128xf32, #tpu.memory_space<hbm>> -> memref<500000x128xf32, #tpu.memory_space<hbm>>
    tpu.wait_indirect_dma semaphore(%arg12 : memref<!tpu.dma_semaphore, #tpu.memory_space<semaphore_mem>>) src(%dma_wait3A_173 : memref<500000x128xf32, #tpu.memory_space<hbm>>) dst(%dma_wait3A_167 : memref<128x128xf32, #tpu.memory_space<vmem>>)
    %dma_wait3A_174 = arith.constant 2 : i32
    %dma_wait3A_175 = arith.constant 0 : i32
    %dma_wait3A_176 = arith.constant 0 : i32
    %dma_wait3A_177 = arith.constant 0 : i32
    %dma_wait3A_178 = tpu.memref_slice %arg10[%dma_wait3A_175, %dma_wait3A_176, %dma_wait3A_177] : memref<2x128x128xf32, #tpu.memory_space<vmem>> -> memref<1x128x128xf32, #tpu.memory_space<vmem>>
    %dma_wait3A_179 = tpu.memref_squeeze %dma_wait3A_178 : memref<1x128x128xf32, #tpu.memory_space<vmem>> -> memref<128x128xf32, #tpu.memory_space<vmem>>
    %dma_wait3A_180 = arith.constant 0 : i32
    %dma_wait3A_181 = tpu.memref_slice %arg7[%dma_wait3A_174, %dma_wait3A_180] : memref<4x128xi32, #tpu.memory_space<vmem>> -> memref<1x128xi32, #tpu.memory_space<vmem>>
    %dma_wait3A_182 = tpu.memref_squeeze %dma_wait3A_181 : memref<1x128xi32, #tpu.memory_space<vmem>> -> memref<128xi32, #tpu.memory_space<vmem>>
    %dma_wait3A_183 = arith.constant 0 : i32
    %dma_wait3A_184 = arith.constant 0 : i32
    %dma_wait3A_185 = tpu.memref_slice %arg5[%dma_wait3A_183, %dma_wait3A_184] : memref<500000x128xf32, #tpu.memory_space<hbm>> -> memref<500000x128xf32, #tpu.memory_space<hbm>>
    tpu.wait_indirect_dma semaphore(%arg13 : memref<!tpu.dma_semaphore, #tpu.memory_space<semaphore_mem>>) src(%dma_wait3A_185 : memref<500000x128xf32, #tpu.memory_space<hbm>>) dst(%dma_wait3A_179 : memref<128x128xf32, #tpu.memory_space<vmem>>)
    %scan3A_186 = arith.constant 0 : i32
    %scan3A_187 = arith.constant 0 : i32
    %scan3A_188 = arith.constant 0 : i32
    %scan3A_189 = arith.constant 0 : i32
    %scan3A_190 = arith.constant 128 : i32
    %scan3A_191 = arith.addi %scan3A_189, %scan3A_190 : i32
    %scan3A_192 = arith.constant 1 : i32
    scf.for %scan3A_228 = %scan3A_189 to %scan3A_191 step %scan3A_192  : i32 {
      %broadcast_in_dim3A = arith.constant 2 : i32
      %broadcast_in_dim3A_229 = vector.broadcast %broadcast_in_dim3A : i32 to vector<16xi32>
      %broadcast_in_dim3A_230 = vector.broadcast %scan3A_228 : i32 to vector<16xi32>
      %gather3A = tpu.vector_load_idx %arg8[%broadcast_in_dim3A_229, %broadcast_in_dim3A_230] : memref<4x128xi32, #tpu.memory_space<vmem>>[vector<16xi32>, vector<16xi32>], vector<16xi32>,
      %broadcast_in_dim3A_231 = vector.broadcast %scan3A_228 : i32 to vector<16xi32>
      %add3A_232 = arith.constant 256 : i32
      %add3A_233 = arith.addi %add3A_232, %scan3A_228 : i32
      %jit3A = arith.constant 2 : i32
      %div3A = arith.divsi %add3A_233, %jit3A : i32
      %sign3A = arith.constant 0 : i32
      %sign3A_234 = arith.cmpi sgt, %add3A_233, %sign3A : i32
      %sign3A_235 = arith.extui %sign3A_234 : i1 to i32
      %sign3A_236 = arith.constant 0 : i32
      %sign3A_237 = arith.cmpi slt, %add3A_233, %sign3A_236 : i32
      %sign3A_238 = arith.extui %sign3A_237 : i1 to i32
      %sign3A_239 = arith.subi %sign3A_235, %sign3A_238 : i32
      %sign3A_240 = arith.constant 0 : i32
      %sign3A_241 = arith.cmpi sgt, %jit3A, %sign3A_240 : i32
      %sign3A_242 = arith.extui %sign3A_241 : i1 to i32
      %sign3A_243 = arith.constant 0 : i32
      %sign3A_244 = arith.cmpi slt, %jit3A, %sign3A_243 : i32
      %sign3A_245 = arith.extui %sign3A_244 : i1 to i32
      %sign3A_246 = arith.subi %sign3A_242, %sign3A_245 : i32
      %ne3A = arith.cmpi ne, %sign3A_239, %sign3A_246 : i32
      %rem3A = arith.remsi %add3A_233, %jit3A : i32
      %ne3A_247 = arith.constant 0 : i32
      %ne3A_248 = arith.cmpi ne, %rem3A, %ne3A_247 : i32
      %and3A = arith.andi %ne3A, %ne3A_248 : i1
      %sub3A = arith.constant 1 : i32
      %sub3A_249 = arith.subi %div3A, %sub3A : i32
      %select_n3A = arith.select %and3A, %sub3A_249, %div3A : i32
      %jit3A_250 = arith.constant 2 : i32
      %eq3A = arith.constant 0 : i32
      %eq3A_251 = arith.cmpi eq, %jit3A_250, %eq3A : i32
      %jit3A_252 = arith.constant 1 : i32
      %select_n3A_253 = arith.select %eq3A_251, %jit3A_252, %jit3A_250 : i32
      %rem3A_254 = arith.remsi %add3A_233, %select_n3A_253 : i32
      %ne3A_255 = arith.constant 0 : i32
      %ne3A_256 = arith.cmpi ne, %rem3A_254, %ne3A_255 : i32
      %lt3A = arith.constant 0 : i32
      %lt3A_257 = arith.cmpi slt, %rem3A_254, %lt3A : i32
      %lt3A_258 = arith.constant 0 : i32
      %lt3A_259 = arith.cmpi slt, %select_n3A_253, %lt3A_258 : i32
      %ne3A_260 = arith.xori %lt3A_257, %lt3A_259 : i1
      %and3A_261 = arith.andi %ne3A_260, %ne3A_256 : i1
      %add3A_262 = arith.addi %rem3A_254, %select_n3A_253 : i32
      %select_n3A_263 = arith.select %and3A_261, %add3A_262, %rem3A_254 : i32
      %mul3A_264 = arith.constant 64 : i32
      %mul3A_265 = arith.muli %select_n3A_263, %mul3A_264 : i32
      %add3A_266 = arith.constant 0 : i32
      %add3A_267 = vector.broadcast %add3A_266 : i32 to vector<16xi32>
      %add3A_268 = arith.addi %gather3A, %add3A_267 : vector<16xi32>
      %add3A_269 = arith.addi %add3A_268, %iota3A : vector<16xi32>
      %gather3A_270 = arith.constant 0 : i32
      %gather3A_271 = arith.constant 0 : i32
      %gather3A_272 = tpu.memref_slice %arg9[%scan3A_187, %gather3A_270, %gather3A_271] : memref<2x128x128xf32, #tpu.memory_space<vmem>> -> memref<1x128x128xf32, #tpu.memory_space<vmem>>
      %gather3A_273 = tpu.memref_squeeze %gather3A_272 : memref<1x128x128xf32, #tpu.memory_space<vmem>> -> memref<128x128xf32, #tpu.memory_space<vmem>>
      %gather3A_274 = tpu.vector_load_idx %gather3A_273[%broadcast_in_dim3A_231, %add3A_269] : memref<128x128xf32, #tpu.memory_space<vmem>>[vector<16xi32>, vector<16xi32>], vector<16xf32>,
      %gather3A_275 = arith.constant 0 : i32
      %gather3A_276 = arith.constant 0 : i32
      %gather3A_277 = tpu.memref_slice %arg10[%scan3A_188, %gather3A_275, %gather3A_276] : memref<2x128x128xf32, #tpu.memory_space<vmem>> -> memref<1x128x128xf32, #tpu.memory_space<vmem>>
      %gather3A_278 = tpu.memref_squeeze %gather3A_277 : memref<1x128x128xf32, #tpu.memory_space<vmem>> -> memref<128x128xf32, #tpu.memory_space<vmem>>
      %gather3A_279 = tpu.vector_load_idx %gather3A_278[%broadcast_in_dim3A_231, %add3A_269] : memref<128x128xf32, #tpu.memory_space<vmem>>[vector<16xi32>, vector<16xi32>], vector<16xf32>,
      %add3A_280 = arith.addf %gather3A_274, %gather3A_279 : vector<16xf32>
      %add3A_281 = arith.constant 0 : i32
      %add3A_282 = arith.addi %mul3A_265, %add3A_281 : i32
      %swap3A = arith.index_cast %select_n3A : i32 to index
      %swap3A_283 = arith.index_cast %add3A_282 : i32 to index
      %swap3A_284 = tpu.vector_load %arg11[%swap3A, %swap3A_283] {strides = array<i32>} : memref<256x128xf32, #tpu.memory_space<vmem>>, vector<16xf32>,
      tpu.vector_store %arg11[%swap3A, %swap3A_283], %add3A_280 {strides = array<i32>} : memref<256x128xf32, #tpu.memory_space<vmem>>, vector<16xf32>,
      %add3A_285 = arith.constant 16 : i32
      %add3A_286 = vector.broadcast %add3A_285 : i32 to vector<16xi32>
      %add3A_287 = arith.addi %gather3A, %add3A_286 : vector<16xi32>
      %add3A_288 = arith.addi %add3A_287, %iota3A : vector<16xi32>
      %gather3A_289 = arith.constant 0 : i32
      %gather3A_290 = arith.constant 0 : i32
      %gather3A_291 = tpu.memref_slice %arg9[%scan3A_187, %gather3A_289, %gather3A_290] : memref<2x128x128xf32, #tpu.memory_space<vmem>> -> memref<1x128x128xf32, #tpu.memory_space<vmem>>
      %gather3A_292 = tpu.memref_squeeze %gather3A_291 : memref<1x128x128xf32, #tpu.memory_space<vmem>> -> memref<128x128xf32, #tpu.memory_space<vmem>>
      %gather3A_293 = tpu.vector_load_idx %gather3A_292[%broadcast_in_dim3A_231, %add3A_288] : memref<128x128xf32, #tpu.memory_space<vmem>>[vector<16xi32>, vector<16xi32>], vector<16xf32>,
      %gather3A_294 = arith.constant 0 : i32
      %gather3A_295 = arith.constant 0 : i32
      %gather3A_296 = tpu.memref_slice %arg10[%scan3A_188, %gather3A_294, %gather3A_295] : memref<2x128x128xf32, #tpu.memory_space<vmem>> -> memref<1x128x128xf32, #tpu.memory_space<vmem>>
      %gather3A_297 = tpu.memref_squeeze %gather3A_296 : memref<1x128x128xf32, #tpu.memory_space<vmem>> -> memref<128x128xf32, #tpu.memory_space<vmem>>
      %gather3A_298 = tpu.vector_load_idx %gather3A_297[%broadcast_in_dim3A_231, %add3A_288] : memref<128x128xf32, #tpu.memory_space<vmem>>[vector<16xi32>, vector<16xi32>], vector<16xf32>,
      %add3A_299 = arith.addf %gather3A_293, %gather3A_298 : vector<16xf32>
      %add3A_300 = arith.constant 16 : i32
      %add3A_301 = arith.addi %mul3A_265, %add3A_300 : i32
      %swap3A_302 = arith.index_cast %select_n3A : i32 to index
      %swap3A_303 = arith.index_cast %add3A_301 : i32 to index
      %swap3A_304 = tpu.vector_load %arg11[%swap3A_302, %swap3A_303] {strides = array<i32>} : memref<256x128xf32, #tpu.memory_space<vmem>>, vector<16xf32>,
      tpu.vector_store %arg11[%swap3A_302, %swap3A_303], %add3A_299 {strides = array<i32>} : memref<256x128xf32, #tpu.memory_space<vmem>>, vector<16xf32>,
      %add3A_305 = arith.constant 32 : i32
      %add3A_306 = vector.broadcast %add3A_305 : i32 to vector<16xi32>
      %add3A_307 = arith.addi %gather3A, %add3A_306 : vector<16xi32>
      %add3A_308 = arith.addi %add3A_307, %iota3A : vector<16xi32>
      %gather3A_309 = arith.constant 0 : i32
      %gather3A_310 = arith.constant 0 : i32
      %gather3A_311 = tpu.memref_slice %arg9[%scan3A_187, %gather3A_309, %gather3A_310] : memref<2x128x128xf32, #tpu.memory_space<vmem>> -> memref<1x128x128xf32, #tpu.memory_space<vmem>>
      %gather3A_312 = tpu.memref_squeeze %gather3A_311 : memref<1x128x128xf32, #tpu.memory_space<vmem>> -> memref<128x128xf32, #tpu.memory_space<vmem>>
      %gather3A_313 = tpu.vector_load_idx %gather3A_312[%broadcast_in_dim3A_231, %add3A_308] : memref<128x128xf32, #tpu.memory_space<vmem>>[vector<16xi32>, vector<16xi32>], vector<16xf32>,
      %gather3A_314 = arith.constant 0 : i32
      %gather3A_315 = arith.constant 0 : i32
      %gather3A_316 = tpu.memref_slice %arg10[%scan3A_188, %gather3A_314, %gather3A_315] : memref<2x128x128xf32, #tpu.memory_space<vmem>> -> memref<1x128x128xf32, #tpu.memory_space<vmem>>
      %gather3A_317 = tpu.memref_squeeze %gather3A_316 : memref<1x128x128xf32, #tpu.memory_space<vmem>> -> memref<128x128xf32, #tpu.memory_space<vmem>>
      %gather3A_318 = tpu.vector_load_idx %gather3A_317[%broadcast_in_dim3A_231, %add3A_308] : memref<128x128xf32, #tpu.memory_space<vmem>>[vector<16xi32>, vector<16xi32>], vector<16xf32>,
      %add3A_319 = arith.addf %gather3A_313, %gather3A_318 : vector<16xf32>
      %add3A_320 = arith.constant 32 : i32
      %add3A_321 = arith.addi %mul3A_265, %add3A_320 : i32
      %swap3A_322 = arith.index_cast %select_n3A : i32 to index
      %swap3A_323 = arith.index_cast %add3A_321 : i32 to index
      %swap3A_324 = tpu.vector_load %arg11[%swap3A_322, %swap3A_323] {strides = array<i32>} : memref<256x128xf32, #tpu.memory_space<vmem>>, vector<16xf32>,
      tpu.vector_store %arg11[%swap3A_322, %swap3A_323], %add3A_319 {strides = array<i32>} : memref<256x128xf32, #tpu.memory_space<vmem>>, vector<16xf32>,
      %add3A_325 = arith.constant 48 : i32
      %add3A_326 = vector.broadcast %add3A_325 : i32 to vector<16xi32>
      %add3A_327 = arith.addi %gather3A, %add3A_326 : vector<16xi32>
      %add3A_328 = arith.addi %add3A_327, %iota3A : vector<16xi32>
      %gather3A_329 = arith.constant 0 : i32
      %gather3A_330 = arith.constant 0 : i32
      %gather3A_331 = tpu.memref_slice %arg9[%scan3A_187, %gather3A_329, %gather3A_330] : memref<2x128x128xf32, #tpu.memory_space<vmem>> -> memref<1x128x128xf32, #tpu.memory_space<vmem>>
      %gather3A_332 = tpu.memref_squeeze %gather3A_331 : memref<1x128x128xf32, #tpu.memory_space<vmem>> -> memref<128x128xf32, #tpu.memory_space<vmem>>
      %gather3A_333 = tpu.vector_load_idx %gather3A_332[%broadcast_in_dim3A_231, %add3A_328] : memref<128x128xf32, #tpu.memory_space<vmem>>[vector<16xi32>, vector<16xi32>], vector<16xf32>,
      %gather3A_334 = arith.constant 0 : i32
      %gather3A_335 = arith.constant 0 : i32
      %gather3A_336 = tpu.memref_slice %arg10[%scan3A_188, %gather3A_334, %gather3A_335] : memref<2x128x128xf32, #tpu.memory_space<vmem>> -> memref<1x128x128xf32, #tpu.memory_space<vmem>>
      %gather3A_337 = tpu.memref_squeeze %gather3A_336 : memref<1x128x128xf32, #tpu.memory_space<vmem>> -> memref<128x128xf32, #tpu.memory_space<vmem>>
      %gather3A_338 = tpu.vector_load_idx %gather3A_337[%broadcast_in_dim3A_231, %add3A_328] : memref<128x128xf32, #tpu.memory_space<vmem>>[vector<16xi32>, vector<16xi32>], vector<16xf32>,
      %add3A_339 = arith.addf %gather3A_333, %gather3A_338 : vector<16xf32>
      %add3A_340 = arith.constant 48 : i32
      %add3A_341 = arith.addi %mul3A_265, %add3A_340 : i32
      %swap3A_342 = arith.index_cast %select_n3A : i32 to index
      %swap3A_343 = arith.index_cast %add3A_341 : i32 to index
      %swap3A_344 = tpu.vector_load %arg11[%swap3A_342, %swap3A_343] {strides = array<i32>} : memref<256x128xf32, #tpu.memory_space<vmem>>, vector<16xf32>,
      tpu.vector_store %arg11[%swap3A_342, %swap3A_343], %add3A_339 {strides = array<i32>} : memref<256x128xf32, #tpu.memory_space<vmem>>, vector<16xf32>,
    }
    %scan3A_193 = arith.constant 128 : i32
    %dma_wait3A_194 = arith.constant 3 : i32
    %dma_wait3A_195 = arith.constant 1 : i32
    %dma_wait3A_196 = arith.constant 0 : i32
    %dma_wait3A_197 = arith.constant 0 : i32
    %dma_wait3A_198 = tpu.memref_slice %arg9[%dma_wait3A_195, %dma_wait3A_196, %dma_wait3A_197] : memref<2x128x128xf32, #tpu.memory_space<vmem>> -> memref<1x128x128xf32, #tpu.memory_space<vmem>>
    %dma_wait3A_199 = tpu.memref_squeeze %dma_wait3A_198 : memref<1x128x128xf32, #tpu.memory_space<vmem>> -> memref<128x128xf32, #tpu.memory_space<vmem>>
    %dma_wait3A_200 = arith.constant 0 : i32
    %dma_wait3A_201 = tpu.memref_slice %arg7[%dma_wait3A_194, %dma_wait3A_200] : memref<4x128xi32, #tpu.memory_space<vmem>> -> memref<1x128xi32, #tpu.memory_space<vmem>>
    %dma_wait3A_202 = tpu.memref_squeeze %dma_wait3A_201 : memref<1x128xi32, #tpu.memory_space<vmem>> -> memref<128xi32, #tpu.memory_space<vmem>>
    %dma_wait3A_203 = arith.constant 0 : i32
    %dma_wait3A_204 = arith.constant 0 : i32
    %dma_wait3A_205 = tpu.memref_slice %arg4[%dma_wait3A_203, %dma_wait3A_204] : memref<500000x128xf32, #tpu.memory_space<hbm>> -> memref<500000x128xf32, #tpu.memory_space<hbm>>
    tpu.wait_indirect_dma semaphore(%arg12 : memref<!tpu.dma_semaphore, #tpu.memory_space<semaphore_mem>>) src(%dma_wait3A_205 : memref<500000x128xf32, #tpu.memory_space<hbm>>) dst(%dma_wait3A_199 : memref<128x128xf32, #tpu.memory_space<vmem>>)
    %dma_wait3A_206 = arith.constant 3 : i32
    %dma_wait3A_207 = arith.constant 1 : i32
    %dma_wait3A_208 = arith.constant 0 : i32
    %dma_wait3A_209 = arith.constant 0 : i32
    %dma_wait3A_210 = tpu.memref_slice %arg10[%dma_wait3A_207, %dma_wait3A_208, %dma_wait3A_209] : memref<2x128x128xf32, #tpu.memory_space<vmem>> -> memref<1x128x128xf32, #tpu.memory_space<vmem>>
    %dma_wait3A_211 = tpu.memref_squeeze %dma_wait3A_210 : memref<1x128x128xf32, #tpu.memory_space<vmem>> -> memref<128x128xf32, #tpu.memory_space<vmem>>
    %dma_wait3A_212 = arith.constant 0 : i32
    %dma_wait3A_213 = tpu.memref_slice %arg7[%dma_wait3A_206, %dma_wait3A_212] : memref<4x128xi32, #tpu.memory_space<vmem>> -> memref<1x128xi32, #tpu.memory_space<vmem>>
    %dma_wait3A_214 = tpu.memref_squeeze %dma_wait3A_213 : memref<1x128xi32, #tpu.memory_space<vmem>> -> memref<128xi32, #tpu.memory_space<vmem>>
    %dma_wait3A_215 = arith.constant 0 : i32
    %dma_wait3A_216 = arith.constant 0 : i32
    %dma_wait3A_217 = tpu.memref_slice %arg5[%dma_wait3A_215, %dma_wait3A_216] : memref<500000x128xf32, #tpu.memory_space<hbm>> -> memref<500000x128xf32, #tpu.memory_space<hbm>>
    tpu.wait_indirect_dma semaphore(%arg13 : memref<!tpu.dma_semaphore, #tpu.memory_space<semaphore_mem>>) src(%dma_wait3A_217 : memref<500000x128xf32, #tpu.memory_space<hbm>>) dst(%dma_wait3A_211 : memref<128x128xf32, #tpu.memory_space<vmem>>)
    %scan3A_218 = arith.constant 0 : i32
    %scan3A_219 = arith.constant 1 : i32
    %scan3A_220 = arith.constant 1 : i32
    %scan3A_221 = arith.constant 0 : i32
    %scan3A_222 = arith.constant 128 : i32
    %scan3A_223 = arith.addi %scan3A_221, %scan3A_222 : i32
    %scan3A_224 = arith.constant 1 : i32
    scf.for %scan3A_228 = %scan3A_221 to %scan3A_223 step %scan3A_224  : i32 {
      %broadcast_in_dim3A = arith.constant 3 : i32
      %broadcast_in_dim3A_229 = vector.broadcast %broadcast_in_dim3A : i32 to vector<16xi32>
      %broadcast_in_dim3A_230 = vector.broadcast %scan3A_228 : i32 to vector<16xi32>
      %gather3A = tpu.vector_load_idx %arg8[%broadcast_in_dim3A_229, %broadcast_in_dim3A_230] : memref<4x128xi32, #tpu.memory_space<vmem>>[vector<16xi32>, vector<16xi32>], vector<16xi32>,
      %broadcast_in_dim3A_231 = vector.broadcast %scan3A_228 : i32 to vector<16xi32>
      %add3A_232 = arith.constant 384 : i32
      %add3A_233 = arith.addi %add3A_232, %scan3A_228 : i32
      %jit3A = arith.constant 2 : i32
      %div3A = arith.divsi %add3A_233, %jit3A : i32
      %sign3A = arith.constant 0 : i32
      %sign3A_234 = arith.cmpi sgt, %add3A_233, %sign3A : i32
      %sign3A_235 = arith.extui %sign3A_234 : i1 to i32
      %sign3A_236 = arith.constant 0 : i32
      %sign3A_237 = arith.cmpi slt, %add3A_233, %sign3A_236 : i32
      %sign3A_238 = arith.extui %sign3A_237 : i1 to i32
      %sign3A_239 = arith.subi %sign3A_235, %sign3A_238 : i32
      %sign3A_240 = arith.constant 0 : i32
      %sign3A_241 = arith.cmpi sgt, %jit3A, %sign3A_240 : i32
      %sign3A_242 = arith.extui %sign3A_241 : i1 to i32
      %sign3A_243 = arith.constant 0 : i32
      %sign3A_244 = arith.cmpi slt, %jit3A, %sign3A_243 : i32
      %sign3A_245 = arith.extui %sign3A_244 : i1 to i32
      %sign3A_246 = arith.subi %sign3A_242, %sign3A_245 : i32
      %ne3A = arith.cmpi ne, %sign3A_239, %sign3A_246 : i32
      %rem3A = arith.remsi %add3A_233, %jit3A : i32
      %ne3A_247 = arith.constant 0 : i32
      %ne3A_248 = arith.cmpi ne, %rem3A, %ne3A_247 : i32
      %and3A = arith.andi %ne3A, %ne3A_248 : i1
      %sub3A = arith.constant 1 : i32
      %sub3A_249 = arith.subi %div3A, %sub3A : i32
      %select_n3A = arith.select %and3A, %sub3A_249, %div3A : i32
      %jit3A_250 = arith.constant 2 : i32
      %eq3A = arith.constant 0 : i32
      %eq3A_251 = arith.cmpi eq, %jit3A_250, %eq3A : i32
      %jit3A_252 = arith.constant 1 : i32
      %select_n3A_253 = arith.select %eq3A_251, %jit3A_252, %jit3A_250 : i32
      %rem3A_254 = arith.remsi %add3A_233, %select_n3A_253 : i32
      %ne3A_255 = arith.constant 0 : i32
      %ne3A_256 = arith.cmpi ne, %rem3A_254, %ne3A_255 : i32
      %lt3A = arith.constant 0 : i32
      %lt3A_257 = arith.cmpi slt, %rem3A_254, %lt3A : i32
      %lt3A_258 = arith.constant 0 : i32
      %lt3A_259 = arith.cmpi slt, %select_n3A_253, %lt3A_258 : i32
      %ne3A_260 = arith.xori %lt3A_257, %lt3A_259 : i1
      %and3A_261 = arith.andi %ne3A_260, %ne3A_256 : i1
      %add3A_262 = arith.addi %rem3A_254, %select_n3A_253 : i32
      %select_n3A_263 = arith.select %and3A_261, %add3A_262, %rem3A_254 : i32
      %mul3A_264 = arith.constant 64 : i32
      %mul3A_265 = arith.muli %select_n3A_263, %mul3A_264 : i32
      %add3A_266 = arith.constant 0 : i32
      %add3A_267 = vector.broadcast %add3A_266 : i32 to vector<16xi32>
      %add3A_268 = arith.addi %gather3A, %add3A_267 : vector<16xi32>
      %add3A_269 = arith.addi %add3A_268, %iota3A : vector<16xi32>
      %gather3A_270 = arith.constant 0 : i32
      %gather3A_271 = arith.constant 0 : i32
      %gather3A_272 = tpu.memref_slice %arg9[%scan3A_219, %gather3A_270, %gather3A_271] : memref<2x128x128xf32, #tpu.memory_space<vmem>> -> memref<1x128x128xf32, #tpu.memory_space<vmem>>
      %gather3A_273 = tpu.memref_squeeze %gather3A_272 : memref<1x128x128xf32, #tpu.memory_space<vmem>> -> memref<128x128xf32, #tpu.memory_space<vmem>>
      %gather3A_274 = tpu.vector_load_idx %gather3A_273[%broadcast_in_dim3A_231, %add3A_269] : memref<128x128xf32, #tpu.memory_space<vmem>>[vector<16xi32>, vector<16xi32>], vector<16xf32>,
      %gather3A_275 = arith.constant 0 : i32
      %gather3A_276 = arith.constant 0 : i32
      %gather3A_277 = tpu.memref_slice %arg10[%scan3A_220, %gather3A_275, %gather3A_276] : memref<2x128x128xf32, #tpu.memory_space<vmem>> -> memref<1x128x128xf32, #tpu.memory_space<vmem>>
      %gather3A_278 = tpu.memref_squeeze %gather3A_277 : memref<1x128x128xf32, #tpu.memory_space<vmem>> -> memref<128x128xf32, #tpu.memory_space<vmem>>
      %gather3A_279 = tpu.vector_load_idx %gather3A_278[%broadcast_in_dim3A_231, %add3A_269] : memref<128x128xf32, #tpu.memory_space<vmem>>[vector<16xi32>, vector<16xi32>], vector<16xf32>,
      %add3A_280 = arith.addf %gather3A_274, %gather3A_279 : vector<16xf32>
      %add3A_281 = arith.constant 0 : i32
      %add3A_282 = arith.addi %mul3A_265, %add3A_281 : i32
      %swap3A = arith.index_cast %select_n3A : i32 to index
      %swap3A_283 = arith.index_cast %add3A_282 : i32 to index
      %swap3A_284 = tpu.vector_load %arg11[%swap3A, %swap3A_283] {strides = array<i32>} : memref<256x128xf32, #tpu.memory_space<vmem>>, vector<16xf32>,
      tpu.vector_store %arg11[%swap3A, %swap3A_283], %add3A_280 {strides = array<i32>} : memref<256x128xf32, #tpu.memory_space<vmem>>, vector<16xf32>,
      %add3A_285 = arith.constant 16 : i32
      %add3A_286 = vector.broadcast %add3A_285 : i32 to vector<16xi32>
      %add3A_287 = arith.addi %gather3A, %add3A_286 : vector<16xi32>
      %add3A_288 = arith.addi %add3A_287, %iota3A : vector<16xi32>
      %gather3A_289 = arith.constant 0 : i32
      %gather3A_290 = arith.constant 0 : i32
      %gather3A_291 = tpu.memref_slice %arg9[%scan3A_219, %gather3A_289, %gather3A_290] : memref<2x128x128xf32, #tpu.memory_space<vmem>> -> memref<1x128x128xf32, #tpu.memory_space<vmem>>
      %gather3A_292 = tpu.memref_squeeze %gather3A_291 : memref<1x128x128xf32, #tpu.memory_space<vmem>> -> memref<128x128xf32, #tpu.memory_space<vmem>>
      %gather3A_293 = tpu.vector_load_idx %gather3A_292[%broadcast_in_dim3A_231, %add3A_288] : memref<128x128xf32, #tpu.memory_space<vmem>>[vector<16xi32>, vector<16xi32>], vector<16xf32>,
      %gather3A_294 = arith.constant 0 : i32
      %gather3A_295 = arith.constant 0 : i32
      %gather3A_296 = tpu.memref_slice %arg10[%scan3A_220, %gather3A_294, %gather3A_295] : memref<2x128x128xf32, #tpu.memory_space<vmem>> -> memref<1x128x128xf32, #tpu.memory_space<vmem>>
      %gather3A_297 = tpu.memref_squeeze %gather3A_296 : memref<1x128x128xf32, #tpu.memory_space<vmem>> -> memref<128x128xf32, #tpu.memory_space<vmem>>
      %gather3A_298 = tpu.vector_load_idx %gather3A_297[%broadcast_in_dim3A_231, %add3A_288] : memref<128x128xf32, #tpu.memory_space<vmem>>[vector<16xi32>, vector<16xi32>], vector<16xf32>,
      %add3A_299 = arith.addf %gather3A_293, %gather3A_298 : vector<16xf32>
      %add3A_300 = arith.constant 16 : i32
      %add3A_301 = arith.addi %mul3A_265, %add3A_300 : i32
      %swap3A_302 = arith.index_cast %select_n3A : i32 to index
      %swap3A_303 = arith.index_cast %add3A_301 : i32 to index
      %swap3A_304 = tpu.vector_load %arg11[%swap3A_302, %swap3A_303] {strides = array<i32>} : memref<256x128xf32, #tpu.memory_space<vmem>>, vector<16xf32>,
      tpu.vector_store %arg11[%swap3A_302, %swap3A_303], %add3A_299 {strides = array<i32>} : memref<256x128xf32, #tpu.memory_space<vmem>>, vector<16xf32>,
      %add3A_305 = arith.constant 32 : i32
      %add3A_306 = vector.broadcast %add3A_305 : i32 to vector<16xi32>
      %add3A_307 = arith.addi %gather3A, %add3A_306 : vector<16xi32>
      %add3A_308 = arith.addi %add3A_307, %iota3A : vector<16xi32>
      %gather3A_309 = arith.constant 0 : i32
      %gather3A_310 = arith.constant 0 : i32
      %gather3A_311 = tpu.memref_slice %arg9[%scan3A_219, %gather3A_309, %gather3A_310] : memref<2x128x128xf32, #tpu.memory_space<vmem>> -> memref<1x128x128xf32, #tpu.memory_space<vmem>>
      %gather3A_312 = tpu.memref_squeeze %gather3A_311 : memref<1x128x128xf32, #tpu.memory_space<vmem>> -> memref<128x128xf32, #tpu.memory_space<vmem>>
      %gather3A_313 = tpu.vector_load_idx %gather3A_312[%broadcast_in_dim3A_231, %add3A_308] : memref<128x128xf32, #tpu.memory_space<vmem>>[vector<16xi32>, vector<16xi32>], vector<16xf32>,
      %gather3A_314 = arith.constant 0 : i32
      %gather3A_315 = arith.constant 0 : i32
      %gather3A_316 = tpu.memref_slice %arg10[%scan3A_220, %gather3A_314, %gather3A_315] : memref<2x128x128xf32, #tpu.memory_space<vmem>> -> memref<1x128x128xf32, #tpu.memory_space<vmem>>
      %gather3A_317 = tpu.memref_squeeze %gather3A_316 : memref<1x128x128xf32, #tpu.memory_space<vmem>> -> memref<128x128xf32, #tpu.memory_space<vmem>>
      %gather3A_318 = tpu.vector_load_idx %gather3A_317[%broadcast_in_dim3A_231, %add3A_308] : memref<128x128xf32, #tpu.memory_space<vmem>>[vector<16xi32>, vector<16xi32>], vector<16xf32>,
      %add3A_319 = arith.addf %gather3A_313, %gather3A_318 : vector<16xf32>
      %add3A_320 = arith.constant 32 : i32
      %add3A_321 = arith.addi %mul3A_265, %add3A_320 : i32
      %swap3A_322 = arith.index_cast %select_n3A : i32 to index
      %swap3A_323 = arith.index_cast %add3A_321 : i32 to index
      %swap3A_324 = tpu.vector_load %arg11[%swap3A_322, %swap3A_323] {strides = array<i32>} : memref<256x128xf32, #tpu.memory_space<vmem>>, vector<16xf32>,
      tpu.vector_store %arg11[%swap3A_322, %swap3A_323], %add3A_319 {strides = array<i32>} : memref<256x128xf32, #tpu.memory_space<vmem>>, vector<16xf32>,
      %add3A_325 = arith.constant 48 : i32
      %add3A_326 = vector.broadcast %add3A_325 : i32 to vector<16xi32>
      %add3A_327 = arith.addi %gather3A, %add3A_326 : vector<16xi32>
      %add3A_328 = arith.addi %add3A_327, %iota3A : vector<16xi32>
      %gather3A_329 = arith.constant 0 : i32
      %gather3A_330 = arith.constant 0 : i32
      %gather3A_331 = tpu.memref_slice %arg9[%scan3A_219, %gather3A_329, %gather3A_330] : memref<2x128x128xf32, #tpu.memory_space<vmem>> -> memref<1x128x128xf32, #tpu.memory_space<vmem>>
      %gather3A_332 = tpu.memref_squeeze %gather3A_331 : memref<1x128x128xf32, #tpu.memory_space<vmem>> -> memref<128x128xf32, #tpu.memory_space<vmem>>
      %gather3A_333 = tpu.vector_load_idx %gather3A_332[%broadcast_in_dim3A_231, %add3A_328] : memref<128x128xf32, #tpu.memory_space<vmem>>[vector<16xi32>, vector<16xi32>], vector<16xf32>,
      %gather3A_334 = arith.constant 0 : i32
      %gather3A_335 = arith.constant 0 : i32
      %gather3A_336 = tpu.memref_slice %arg10[%scan3A_220, %gather3A_334, %gather3A_335] : memref<2x128x128xf32, #tpu.memory_space<vmem>> -> memref<1x128x128xf32, #tpu.memory_space<vmem>>
      %gather3A_337 = tpu.memref_squeeze %gather3A_336 : memref<1x128x128xf32, #tpu.memory_space<vmem>> -> memref<128x128xf32, #tpu.memory_space<vmem>>
      %gather3A_338 = tpu.vector_load_idx %gather3A_337[%broadcast_in_dim3A_231, %add3A_328] : memref<128x128xf32, #tpu.memory_space<vmem>>[vector<16xi32>, vector<16xi32>], vector<16xf32>,
      %add3A_339 = arith.addf %gather3A_333, %gather3A_338 : vector<16xf32>
      %add3A_340 = arith.constant 48 : i32
      %add3A_341 = arith.addi %mul3A_265, %add3A_340 : i32
      %swap3A_342 = arith.index_cast %select_n3A : i32 to index
      %swap3A_343 = arith.index_cast %add3A_341 : i32 to index
      %swap3A_344 = tpu.vector_load %arg11[%swap3A_342, %swap3A_343] {strides = array<i32>} : memref<256x128xf32, #tpu.memory_space<vmem>>, vector<16xf32>,
      tpu.vector_store %arg11[%swap3A_342, %swap3A_343], %add3A_339 {strides = array<i32>} : memref<256x128xf32, #tpu.memory_space<vmem>>, vector<16xf32>,
    }
    %scan3A_225 = arith.constant 128 : i32
    %mul3A_226 = arith.constant 256 : i32
    %mul3A_227 = arith.muli %add3A, %mul3A_226 : i32
    "tpu.region"() ({
      %run_scoped3A = tpu.sem_alloc : memref<!tpu.dma_semaphore, #tpu.memory_space<semaphore_mem>>
      %dma_start3A_228 = arith.constant 0 : i32
      %dma_start3A_229 = tpu.memref_slice %arg6[%mul3A_227, %dma_start3A_228] : memref<8192x128xf32, #tpu.memory_space<hbm>> -> memref<256x128xf32, #tpu.memory_space<hbm>>
      %dma_start3A_230 = arith.constant 0 : i32
      %dma_start3A_231 = tpu.memref_slice %arg6[%mul3A_227, %dma_start3A_230] : memref<8192x128xf32, #tpu.memory_space<hbm>> -> memref<256x128xf32, #tpu.memory_space<hbm>>
      tpu.enqueue_dma source(%arg11 : memref<256x128xf32, #tpu.memory_space<vmem>>) target(%dma_start3A_231 : memref<256x128xf32, #tpu.memory_space<hbm>>) target_semaphore(%run_scoped3A : memref<!tpu.dma_semaphore, #tpu.memory_space<semaphore_mem>>)
      %dma_wait3A_232 = arith.constant 0 : i32
      %dma_wait3A_233 = tpu.memref_slice %arg6[%mul3A_227, %dma_wait3A_232] : memref<8192x128xf32, #tpu.memory_space<hbm>> -> memref<256x128xf32, #tpu.memory_space<hbm>>
      %dma_wait3A_234 = arith.constant 0 : i32
      %dma_wait3A_235 = tpu.memref_slice %arg6[%mul3A_227, %dma_wait3A_234] : memref<8192x128xf32, #tpu.memory_space<hbm>> -> memref<256x128xf32, #tpu.memory_space<hbm>>
      tpu.wait_dma2 semaphore(%run_scoped3A : memref<!tpu.dma_semaphore, #tpu.memory_space<semaphore_mem>>) src(%arg11 : memref<256x128xf32, #tpu.memory_space<vmem>>) dst(%dma_wait3A_235 : memref<256x128xf32, #tpu.memory_space<hbm>>)
      tpu.yield
    }) : () -> ()
    return
  }
}

</mosaic_0001>

<sc_bundles>
// kernel: kernel.3.cloned.1.call-start
scs
__scs_entry_jumppad:
0x0: {  	(pc) =	sbr.rel $0x88, $3  }
0x1: {  	(tag) =	ssettag $0x0;
	lr =	simm.s32 $0x1  }
0x2: {  	[smem:$0x3F9E] =	sst lr;
	_ =	strace $0xD0000000  }
0x3: {  	_ = 	snop  }
0x4: {  	_ = 	snop  }
0x5: {  	_ = 	snop  }
0x6: {  	_ = 	snop  }
0x7: {  	_ = 	snop  }
__scs_overlays_trampoline_lowered:
0x8: {  	[smem:$0x3FAD] =	sst s0  }
0x9: {  	[smem:$0x3FAE] =	sst s1  }
0xa: {  	[smem:$0x3FAF] =	sst s2  }
0xb: {  	[smem:$0x3FB0] =	sst s3  }
0xc: {  	[smem:$0x3FB1] =	sst s4  }
0xd: {  	[smem:$0x3FB2] =	sst s5  }
0xe: {  	[smem:$0x3FB3] =	sst s6  }
0xf: {  	[smem:$0x3FB4] =	sst s7  }
0x10: {  	[smem:$0x3FB5] =	sst s8  }
0x11: {  	[smem:$0x3FB6] =	sst s9;
	s0 =	simm.s32 @!p0 $0x0  }
0x12: {  	s1 =	sld [smem:$0x3F9C];
	s0 =	simm.s32 @p0 $0x1  }
0x13: {  	[smem:$0x3FB7] =	sst s0;
	s0 =	simm.s32 @!p1 $0x0  }
0x14: {  	s2 =	sld [smem:$0x3F9B];
	s0 =	simm.s32 @p1 $0x1  }
0x15: {  	[smem:$0x3FB8] =	sst s0;
	s0 =	simm.s32 @!p2 $0x0  }
0x16: {  	s3 =	sld [smem:$0x3FDB];
	s0 =	simm.s32 @p2 $0x1  }
0x17: {  	s4 =	simm.s32 $0x1BF5;
	[smem:$0x3FBA] =	sst s0  }
0x18: {  	s0 =	sld [smem:$0x3F9D];
	_ =	swait.ge [sflag:s4], $0x0  }
0x19: {  	s7 =	sld [smem:$0x3F9E]  }
0x1a: {  	s8 =	sadd.s32 $0xFFFFE003, lr  }
0x1b: {  	s9 =	sadd.s32 $0xFFFFFEF7, lr;
	s5 =	simm.s32 $0xFFFFFFFF;
	p2 =	slt.u32 s8, $0xFFFFF086  }
0x1c: {  	p1 =	slt.u32 s9, $0xF7A;
	s5 =	simm.s32 @!p2 $0x0  }
0x1d: {  	s5 =	simm.s32 @p1 $0x1;
	p0 =	seq.s32 s7, s2  }
0x1e: {  	s7 =	smul.u32 @!p0 $0xF7A, s2;
	p2 =	seq.s32 @!p0 s5, $0x0  }
0x1f: {  	s9 =	smul.u32 $0xF7A, s1;
	s8 =	simm.s32 @!p0 $0x1BF5;
	p2 =	por !p2, p0  }
0x20: {  	[sflag:s8] =	ssyncset.s32 @!p0 $0xFFFFF086;
	s6 =	sadd.s32 @!p0 s3, s7;
	s7 =	simm.s32 @!p0 $0x108  }
0x21: {  	s3 =	sadd.s32 s3, s9;
	s6 =	sadd.s32 @!p0 $0x88, s6;
	s7 =	simm.s32 @p2 $0x1082  }
0x22: {  	[simem:s7], [sflag:s8] =	dma.local @!p0 [hbm:s6], $0xF7A  }
0x23: {  	s9 =	sor.u32 $0xD0000000, s2;
	s6 =	simm.s32 $0x108;
	_ =	swait.ge @!p0 [sflag:s8], $0x0  }
0x24: {  	s3 =	sadd.s32 $0x88, s3;
	s6 =	simm.s32 @!p1 $0x1082;
	[sflag:s4] =	ssyncset.s32 $0xFFFFF086  }
0x25: {  	[simem:s6], [sflag:s4] =	dma.local [hbm:s3], $0xF7A  }
0x26: {  	[smem:$0x3F9E] =	sst s1;
	(tag) =	ssettag s2;
	_ =	strace s9  }
0x27: {  	s1 =	sld [smem:$0x3FAE]  }
0x28: {  	s2 =	sld [smem:$0x3FAF]  }
0x29: {  	s4 =	sld [smem:$0x3FB1]  }
0x2a: {  	p0 =	seq.s32 s5, $0x0;
	s5 =	sld [smem:$0x3FB2]  }
0x2b: {  	s6 =	sld [smem:$0x3FB3]  }
0x2c: {  	s7 =	sld [smem:$0x3FB4]  }
0x2d: {  	s3 =	simm.s32 $0x108;
	s8 =	sld [smem:$0x3FB5]  }
0x2e: {  	s3 =	simm.s32 @!p0 $0x1082;
	s9 =	sld [smem:$0x3FB6]  }
0x2f: {  	lr =	sadd.s32 s0, s3;
	s0 =	sld [smem:$0x3FAD]  }
0x30: {  	s3 =	sld [smem:$0x3FB0]  }
0x31: {  	[smem:$0x3FB9] =	sst s10  }
0x32: {  	s10 =	sld [smem:$0x3FB7];
	_ =	sdelay $0x3  }
0x33: {  	p0 =	seq.s32 s10, $0x1;
	s10 =	sld [smem:$0x3FB9];
	_ =	sdelay $0x3  }
0x34: {  	[smem:$0x3FB9] =	sst s10  }
0x35: {  	s10 =	sld [smem:$0x3FB8];
	_ =	sdelay $0x3  }
0x36: {  	p1 =	seq.s32 s10, $0x1;
	s10 =	sld [smem:$0x3FB9];
	_ =	sdelay $0x3  }
0x37: {  	[smem:$0x3FB9] =	sst s10  }
0x38: {  	s10 =	sld [smem:$0x3FBA]  }
0x39: {  	_ = 	snop;
	(pc) =	sbr.ind lr, $3  }
0x3a: {  	_ = 	snop  }
0x3b: {  	_ = 	snop  }
0x3c: {  	p2 =	seq.s32 s10, $0x1;
	s10 =	sld [smem:$0x3FB9]  }
0x3d: {  	_ =	shalt  }
0x3e: {  	_ =	shalt  }
0x3f: {  	_ =	shalt  }
0x40: {  	_ =	shalt  }
0x41: {  	_ =	shalt  }
0x42: {  	_ =	shalt  }
0x43: {  	_ =	shalt  }
0x44: {  	_ =	shalt  }
0x45: {  	_ =	shalt  }
0x46: {  	_ =	shalt  }
0x47: {  	_ =	shalt  }
0x48: {  	_ =	shalt  }
0x49: {  	_ =	shalt  }
0x4a: {  	_ =	shalt  }
0x4b: {  	_ =	shalt  }
0x4c: {  	_ =	shalt  }
0x4d: {  	_ =	shalt  }
0x4e: {  	_ =	shalt  }
0x4f: {  	_ =	shalt  }
0x50: {  	_ =	shalt  }
0x51: {  	_ =	shalt  }
0x52: {  	_ =	shalt  }
0x53: {  	_ =	shalt  }
0x54: {  	_ =	shalt  }
0x55: {  	_ =	shalt  }
0x56: {  	_ =	shalt  }
0x57: {  	_ =	shalt  }
0x58: {  	_ =	shalt  }
0x59: {  	_ =	shalt  }
0x5a: {  	_ =	shalt  }
0x5b: {  	_ =	shalt  }
0x5c: {  	_ =	shalt  }
0x5d: {  	_ =	shalt  }
0x5e: {  	_ =	shalt  }
0x5f: {  	_ =	shalt  }
0x60: {  	_ =	shalt  }
0x61: {  	_ =	shalt  }
0x62: {  	_ =	shalt  }
0x63: {  	_ =	shalt  }
0x64: {  	_ =	shalt  }
0x65: {  	_ =	shalt  }
0x66: {  	_ =	shalt  }
0x67: {  	_ =	shalt  }
0x68: {  	_ =	shalt  }
0x69: {  	_ =	shalt  }
0x6a: {  	_ =	shalt  }
0x6b: {  	_ =	shalt  }
0x6c: {  	_ =	shalt  }
0x6d: {  	_ =	shalt  }
0x6e: {  	_ =	shalt  }
0x6f: {  	_ =	shalt  }
0x70: {  	_ =	shalt  }
0x71: {  	_ =	shalt  }
0x72: {  	_ =	shalt  }
0x73: {  	_ =	shalt  }
0x74: {  	_ =	shalt  }
0x75: {  	_ =	shalt  }
0x76: {  	_ =	shalt  }
0x77: {  	_ =	shalt  }
0x78: {  	_ =	shalt  }
0x79: {  	_ =	shalt  }
0x7a: {  	_ =	shalt  }
0x7b: {  	_ =	shalt  }
0x7c: {  	_ =	shalt  }
0x7d: {  	_ =	shalt  }
0x7e: {  	_ =	shalt  }
0x7f: {  	_ =	shalt  }
0x80: {  	_ =	shalt  }
0x81: {  	_ =	shalt  }
0x82: {  	_ =	shalt  }
0x83: {  	_ =	shalt  }
0x84: {  	_ =	shalt  }
0x85: {  	_ =	shalt  }
0x86: {  	_ =	shalt  }
0x87: {  	_ =	shalt  }
.Lfunc_end0:
.L_simem_size_0:
called_computation_lowered:
.L_overlay_start_0:
0x88: {  	s2 =	sld [smem:$0x3FD9]  }
0x89: {  	s3 =	sld [smem:$0x3FFE];
	_ =	sdelay $0x1  }
0x8a: {  	s1 =	srdreg.scid  }
0x8b: {  	s0 =	sand.u32 $0x1, s1  }
0x8c: {  	s17 =	sshll.u32 s0, $0xA;
	s2 =	sadd.s32 s3, s2  }
0x8d: {  	s2 =	sadd.s32 s2, s17  }
0x8e: {  	[smem:$0x3FC5] =	sst s2  }
0x8f: {  	_ = 	snop  }
0x90: {  	s2 =	sld [smem:$0x3FD0];
	(tm) =	ssettm $0x1  }
0x91: {  	s18 =	sld [smem:$0x3FFB];
	_ =	sdelay $0x3  }
0x92: {  	_ =	strace s18  }
0x93: {  	s3 =	sld [smem:$0x3FFC];
	_ =	sdelay $0x3  }
0x94: {  	_ =	strace s3  }
0x95: {  	s3 =	sld [smem:$0x3FFD];
	_ =	sdelay $0x3  }
0x96: {  	_ =	strace s3  }
0x97: {  	_ =	strace $0x8FFFFFFF  }
0x98: {  	s19 =	sld [smem:$0x3FDB];
	_ =	sdelay $0x1  }
0x99: {  	s4 =	simm.s32 $_scs_section_size  }
0x9a: {  	s5 =	simm.s32 $_size__tile_overlayer_lowered;
	s6 =	simm.s32 $_tile_overlayer_lowered  }
0x9b: {  	s22 =	simm.s32 $0x1BFF;
	s21 =	sshll.u32 s6, $0x1;
	s3 =	sadd.s32 s4, s19  }
0x9c: {  	s7 =	simm.s32 $0x0;
	s20 =	sshll.u32 s5, $0x1;
	s5 =	sadd.s32 s21, s3  }
0x9d: {  	[timem:s7], [sflag:s22] =	dma.local [hbm:s5], s20  }
0x9e: {  	_ =	swait.ge [sflag:s22], s20  }
0x9f: {  	s4 =	ssub.s32 $0x0, s20;
	[sflag:s22] =	ssyncset.done $0x0  }
0xa0: {  	[sflag:s22] =	ssyncadd.s32 s4;
	_ =	sdelay $0x1  }
0xa1: {  	s23 =	simm.s32 $0x1B8B  }
0xa2: {  	_ =	swait.ge [sflag:s23], $0x1  }
0xa3: {  	[sflag:s23] =	ssyncset.done $0x0  }
0xa4: {  	s25 =	simm.s32 $0x1B8E;
	s24 =	sld [smem:$0x3FFE];
	[sflag:s23] =	ssyncadd.s32 $0xFFFFFFFF  }
0xa5: {  	s26 =	simm.s32 $execute0_lowered;
	[smem:$0x3FD2] =	sst s25  }
0xa6: {  	s5 =	sshll.u32 s26, $0x1;
	_ =	strace $0x80000046;
	[dreg:$0x1] =	wrdreg $0xFFFFFFFF  }
0xa7: {  	s28 =	simm.s32 $_size_execute0_lowered;
	s3 =	sadd.s32 s3, s5;
	[dreg:$0x0] =	wrdreg $0x0  }
0xa8: {  	s5 =	sshll.u32 s28, $0x1;
	[dreg:$0x2] =	wrdreg s3  }
0xa9: {  	[dreg:$0x3] =	wrdreg s5  }
0xaa: {  	[dreg:$0x4] =	wrdreg $0xC0  }
0xab: {  	_ =	task [dreg:s7], $0x5FFFF  }
0xac: {  	[dreg:$0x1] =	wrdreg $0xFFFFFFFF  }
0xad: {  	[dreg:$0x0] =	wrdreg $0x60  }
0xae: {  	[dreg:$0x2] =	wrdreg s24  }
0xaf: {  	[dreg:$0x3] =	wrdreg s2  }
0xb0: {  	[dreg:$0x4] =	wrdreg $0x9  }
0xb1: {  	_ =	task.clear_ibuf [dreg:s7], $0x5FFFF;
	_ =	strace $0x90000046  }
0xb2: {  	s29 =	simm.s32 $0x9;
	_ =	strace $0x80000048  }
0xb3: {  	_ =	swait.ge [sflag:s29], $0x1  }
0xb4: {  	[sflag:s29] =	ssyncadd.s32 $0xFFFFFFFF  }
0xb5: {  	_ =	strace $0x90000048  }
0xb6: {  	_ =	sfence  }
0xb7: {  	s30 =	sld [smem:$0x0];
	_ =	sdelay $0x2  }
0xb8: {  	s31 =	sshll.u32 s1, $0xD;
	s1 =	sshrl.u32 s1, $0x2  }
0xb9: {  	s3 =	sand.u32 $0x4000, s31;
	s1 =	sadd.s32 s1, s30  }
0xba: {  	s0 =	sor.u32 s3, s0;
	s1 =	sshll.u32 s1, $0x11  }
0xbb: {  	s0 =	sor.u32 s1, s0  }
0xbc: {  	s0 =	sadd.s32 $0x8F2B, s0  }
0xbd: {  	[sflag:s0] =	ssyncadd.remote.s32 $0x1  }
0xbe: {  	_ =	sfence.sel $0xFFFF  }
0xbf: {  	[dreg:$0x0] =	wrdreg $0xFFFFFFFF;
	(pc) =	sbr.abs _section_cstart, $3  }
0xc0: {  	[dreg:$0x1] =	wrdreg $0xFFFFFFFF  }
0xc1: {  	_ =	task.clear_ibuf [dreg:s7], $0x2FFFF;
	_ =	strace $0x9FFFFFFF  }
0xc2: {  	(tm) =	ssettm $0x7FFFFFFF  }
0xc3: {  	_ =	shalt  }
tec
execute0_lowered:
.L_overlay_start_1:
0x0: {  	(tag) =	ssettag $0x1  }
0x1: {  	s4 =	rddreg [dreg:$0x0]  }
0x2: {  	s7 =	rddreg [dreg:$0x1];
	s2 =	srdreg.scid  }
0x3: {  	s0 =	rddreg [dreg:$0x2];
	s1 =	stileid.u32  }
0x4: {  	s11 =	simm.s32 $0x80;
	s12 =	simm.s32 $0x400;
	s13 =	simm.s32 $0x8400  }
0x5: {  	s14 =	simm.s32 $0x4400;
	s15 =	simm.s32 $0xC400;
	s16 =	simm.s32 $0x1  }
0x6: {  	s17 =	simm.s32 $0x2;
	s18 =	simm.s32 $0x100;
	s19 =	simm.s32 $0x180  }
0x7: {  	s20 =	simm.s32 $0x10400;
	s21 =	simm.s32 $0x0;
	s6 =	sand.u32 $0x1, s2  }
0x8: {  	s2 =	simm.s32 $0x0;
	s3 =	sshll.u32 s1, $0x7;
	s31 =	sshll.u32 s1, $0xD  }
0x9: {  	s5 =	sshll.u32 s6, $0x6;
	[smem:$0x7FF] =	sst s2;
	s30 =	ssub.s32 $0x2, s6  }
0xa: {  	s10 =	sshll.u32 s6, $0xC;
	s3 =	sor.u32 s5, s3;
	_ =	strace $0x80000047  }
0xb: {  	s9 =	sshrl.u32 s30, $0x1;
	s7 =	sadd.s32 s7, s10;
	s10 =	simm.s32 $0x200  }
0xc: {  	s8 =	sadd.s32 s3, s4;
	s3 =	sadd.s32 $0xF43A00, s4;
	s4 =	sadd.s32 $0x16E4C00, s4  }
0xd: {  	v0 =	vlaneseq.u32;
	s9 =	ssub.s32 s30, s9;
	s7 =	sadd.s32 s31, s7;
	s5 =	sadd.s32 $0xE00, s8  }
0xe: {  	v1 =	vor.u32 $0x10, v0;
	v2 =	vor.u32 $0x20, v0;
	v3 =	vor.u32 $0x30, v0;
	s6 =	sadd.s32 $0x600, s8;
	s8 =	smax.u32 s9, $0x1;
	s9 =	simm.s32 $0x3  }
.LBB2_1:
0xf: {  	[tilespmem:s2], [sflag:$0x3] =	stream.linear.gather [hbm4b:s5+s2], $0x200, $0x38;
	[tilespmem:$0x18400] =	vst v63  }
0x10: {  	_ =	swait.ge [sflag:s9], $0x200  }
0x11: {  	[sflag:s9] =	ssyncset.done $0x0  }
0x12: {  	[sflag:s9] =	ssyncadd.s32 $0xFFFFFE00  }
0x13: {  	[tilespmem:s10], [sflag:$0x3] =	stream.linear.gather [hbm4b:s6+s2], $0x200, $0x38;
	[tilespmem:$0x18400] =	vst v63  }
0x14: {  	_ =	swait.ge [sflag:s9], $0x200  }
0x15: {  	[sflag:s9] =	ssyncset.done $0x0  }
0x16: {  	[sflag:s9] =	ssyncadd.s32 $0xFFFFFE00  }
0x17: {  	[tilespmem:s12], [sflag:$0x1] =	stream.indirect.gather [hbm4b:s3+s11], $0x80, s2, s11, $0xb8;
	[tilespmem:$0x18400] =	vst v63  }
0x18: {  	_ = 	snop  }
0x19: {  	[tilespmem:s13], [sflag:$0x2] =	stream.indirect.gather [hbm4b:s4+s11], $0x80, s2, s11, $0xb8;
	[tilespmem:$0x18400] =	vst v63  }
0x1a: {  	_ = 	snop  }
0x1b: {  	[tilespmem:s14], [sflag:$0x1] =	stream.indirect.gather [hbm4b:s3+s11], $0x80, s11, s11, $0xb8;
	[tilespmem:$0x18400] =	vst v63  }
0x1c: {  	_ = 	snop  }
0x1d: {  	[tilespmem:s15], [sflag:$0x2] =	stream.indirect.gather [hbm4b:s4+s11], $0x80, s11, s11, $0xb8;
	[tilespmem:$0x18400] =	vst v63  }
0x1e: {  	_ =	swait.ge [sflag:s16], $0x4000  }
0x1f: {  	v4 =	vmov s2;
	[sflag:s16] =	ssyncset.done $0x0  }
0x20: {  	[sflag:s16] =	ssyncadd.s32 $0xFFFFC000  }
0x21: {  	_ =	swait.ge [sflag:s17], $0x4000  }
0x22: {  	[sflag:s17] =	ssyncset.done $0x0  }
0x23: {  	[sflag:s17] =	ssyncadd.s32 $0xFFFFC000  }
0x24: {  	v5 =	vld.idx.msk [tilespmem:v4+s10+$0x0], $0xffff;
	_ =	sdelay $0x4  }
0x25: {  	v6 =	vadd.s32 v0, v5  }
0x26: {  	v4 =	vshll.u32 v4, $0x7;
	v7 =	vand.u32 $0xFFFFFF80, v6  }
0x27: {  	v6 =	vand.u32 $0x7F, v6;
	v7 =	vadd.s32 v4, v7  }
0x28: {  	v6 =	vor.u32 v6, v7;
	_ =	sdelay $0x4  }
0x29: {  	v7 =	vld.idx.msk [tilespmem:v6+s12+$0x0], $0xffff  }
0x2a: {  	v8 =	vadd.s32 v1, v5;
	v6 =	vld.idx.msk [tilespmem:v6+s13+$0x0], $0xffff  }
0x2b: {  	v9 =	vand.u32 $0xFFFFFF80, v8  }
0x2c: {  	v8 =	vand.u32 $0x7F, v8;
	v9 =	vadd.s32 v4, v9  }
0x2d: {  	v8 =	vor.u32 v8, v9;
	_ =	sdelay $0x1  }
0x2e: {  	v6 =	vadd.f32 v6, v7  }
0x2f: {  	s22 =	sand.u32 $0x1FC0, s2  }
0x30: {  	[tilespmem:s22+$0x10400] =	vst v6  }
0x31: {  	v6 =	vld.idx.msk [tilespmem:v8+s12+$0x0], $0xffff  }
0x32: {  	v7 =	vadd.s32 v2, v5;
	v8 =	vld.idx.msk [tilespmem:v8+s13+$0x0], $0xffff  }
0x33: {  	v62 =	vand.u32 $0xFFFFFF80, v7  }
0x34: {  	v7 =	vand.u32 $0x7F, v7;
	v9 =	vadd.s32 v4, v62  }
0x35: {  	v7 =	vor.u32 v7, v9;
	_ =	sdelay $0x1  }
0x36: {  	v6 =	vadd.f32 v8, v6  }
0x37: {  	s25 =	sadd.s32 $0x10400, s22  }
0x38: {  	[tilespmem:s25+$0x10] =	vst v6  }
0x39: {  	v6 =	vld.idx.msk [tilespmem:v7+s12+$0x0], $0xffff  }
0x3a: {  	v5 =	vadd.s32 v3, v5;
	v7 =	vld.idx.msk [tilespmem:v7+s13+$0x0], $0xffff  }
0x3b: {  	v63 =	vand.u32 $0xFFFFFF80, v5  }
0x3c: {  	v5 =	vand.u32 $0x7F, v5;
	v4 =	vadd.s32 v4, v63  }
0x3d: {  	v5 =	vor.u32 v5, v4;
	_ =	sdelay $0x1  }
0x3e: {  	v4 =	vadd.f32 v7, v6;
	_ =	sdelay $0x1  }
0x3f: {  	[tilespmem:s25+$0x20] =	vst v4  }
0x40: {  	v4 =	vld.idx.msk [tilespmem:v5+s12+$0x0], $0xffff  }
0x41: {  	s23 =	simm.s32 $0x1;
	s24 =	simm.s32 $0x2;
	s22 =	simm.s32 $0x0;
	v5 =	vld.idx.msk [tilespmem:v5+s13+$0x0], $0xffff  }
.LBB2_2:
0x42: {  	_ = 	snop  }
0x43: {  	p0 =	sne.s32 s24, $0x7F  }
0x44: {  	v6 =	vmov s23;
	s22 =	sadd.s32 $0x40, s22;
	s23 =	smov.u32 s24;
	s24 =	sadd.s32 $0x1, s24  }
0x45: {  	_ = 	snop  }
0x46: {  	v4 =	vadd.f32 v5, v4;
	_ =	sdelay $0x1  }
0x47: {  	[tilespmem:s25+$0x30] =	vst v4  }
0x48: {  	v4 =	vld.idx.msk [tilespmem:v6+s10+$0x0], $0xffff;
	_ =	sdelay $0x5  }
0x49: {  	v5 =	vadd.s32 v0, v4;
	v7 =	vadd.s32 v1, v4;
	v8 =	vadd.s32 v2, v4  }
0x4a: {  	v6 =	vshll.u32 v6, $0x7;
	v9 =	vand.u32 $0xFFFFFF80, v5;
	v10 =	vand.u32 $0xFFFFFF80, v7  }
0x4b: {  	v5 =	vand.u32 $0x7F, v5;
	v9 =	vadd.s32 v6, v9;
	v10 =	vadd.s32 v6, v10  }
0x4c: {  	v4 =	vadd.s32 v3, v4;
	v5 =	vor.u32 v5, v9;
	v9 =	vand.u32 $0xFFFFFF80, v8  }
0x4d: {  	v11 =	vand.u32 $0xFFFFFF80, v4;
	v9 =	vadd.s32 v6, v9  }
0x4e: {  	v6 =	vadd.s32 v6, v11;
	_ =	sdelay $0x2  }
0x4f: {  	v11 =	vld.idx.msk [tilespmem:v5+s12+$0x0], $0xffff  }
0x50: {  	v5 =	vld.idx.msk [tilespmem:v5+s13+$0x0], $0xffff;
	_ =	sdelay $0x2  }
0x51: {  	v7 =	vand.u32 $0x7F, v7  }
0x52: {  	v7 =	vor.u32 v7, v10;
	_ =	sdelay $0x1  }
0x53: {  	s25 =	sand.u32 $0x1FC0, s22;
	v5 =	vadd.f32 v5, v11;
	_ =	sdelay $0x1  }
0x54: {  	[tilespmem:s25+$0x10400] =	vst v5  }
0x55: {  	v5 =	vld.idx.msk [tilespmem:v7+s12+$0x0], $0xffff  }
0x56: {  	v7 =	vld.idx.msk [tilespmem:v7+s13+$0x0], $0xffff;
	_ =	sdelay $0x2  }
0x57: {  	v8 =	vand.u32 $0x7F, v8  }
0x58: {  	v8 =	vor.u32 v8, v9  }
0x59: {  	s25 =	sadd.s32 $0x10400, s25  }
0x5a: {  	v5 =	vadd.f32 v7, v5;
	_ =	sdelay $0x1  }
0x5b: {  	[tilespmem:s25+$0x10] =	vst v5  }
0x5c: {  	v5 =	vld.idx.msk [tilespmem:v8+s12+$0x0], $0xffff  }
0x5d: {  	v7 =	vld.idx.msk [tilespmem:v8+s13+$0x0], $0xffff;
	_ =	sdelay $0x2  }
0x5e: {  	v4 =	vand.u32 $0x7F, v4  }
0x5f: {  	v6 =	vor.u32 v4, v6;
	_ =	sdelay $0x1  }
.Ltmp0:
0x60: {  	v4 =	vadd.f32 v7, v5;
	(pc) =	sbr.rel @p0 .LBB2_2-.Ltmp0, $4  }
0x61: {  	_ = 	snop  }
0x62: {  	[tilespmem:s25+$0x20] =	vst v4  }
0x63: {  	v4 =	vld.idx.msk [tilespmem:v6+s12+$0x0], $0xffff  }
0x64: {  	v5 =	vld.idx.msk [tilespmem:v6+s13+$0x0], $0xffff  }
0x65: {  	_ =	sdelay $0x1  }
0x66: {  	v6 =	vmov s23;
	_ =	sdelay $0x1  }
0x67: {  	v4 =	vadd.f32 v5, v4;
	_ =	sdelay $0x1  }
0x68: {  	[tilespmem:s25+$0x30] =	vst v4  }
0x69: {  	v4 =	vld.idx.msk [tilespmem:v6+s10+$0x0], $0xffff;
	_ =	sdelay $0x4  }
0x6a: {  	v5 =	vadd.s32 v0, v4  }
0x6b: {  	v6 =	vshll.u32 v6, $0x7;
	v7 =	vand.u32 $0xFFFFFF80, v5  }
0x6c: {  	v5 =	vand.u32 $0x7F, v5;
	v7 =	vadd.s32 v6, v7  }
0x6d: {  	v5 =	vor.u32 v5, v7;
	_ =	sdelay $0x4  }
0x6e: {  	v7 =	vld.idx.msk [tilespmem:v5+s12+$0x0], $0xffff  }
0x6f: {  	v8 =	vadd.s32 v1, v4;
	v5 =	vld.idx.msk [tilespmem:v5+s13+$0x0], $0xffff  }
0x70: {  	v9 =	vand.u32 $0xFFFFFF80, v8  }
0x71: {  	v8 =	vand.u32 $0x7F, v8;
	v9 =	vadd.s32 v6, v9  }
0x72: {  	v8 =	vor.u32 v8, v9;
	_ =	sdelay $0x1  }
0x73: {  	s22 =	sadd.s32 $0x40, s22;
	v5 =	vadd.f32 v5, v7  }
0x74: {  	s22 =	sand.u32 $0x1FC0, s22  }
0x75: {  	[tilespmem:s22+$0x10400] =	vst v5  }
0x76: {  	v5 =	vld.idx.msk [tilespmem:v8+s12+$0x0], $0xffff  }
0x77: {  	v7 =	vadd.s32 v2, v4;
	v8 =	vld.idx.msk [tilespmem:v8+s13+$0x0], $0xffff  }
0x78: {  	v61 =	vand.u32 $0xFFFFFF80, v7  }
0x79: {  	v7 =	vand.u32 $0x7F, v7;
	v9 =	vadd.s32 v6, v61  }
0x7a: {  	v7 =	vor.u32 v7, v9;
	_ =	sdelay $0x1  }
0x7b: {  	v5 =	vadd.f32 v8, v5  }
0x7c: {  	s22 =	sadd.s32 $0x10400, s22  }
0x7d: {  	[tilespmem:s22+$0x10] =	vst v5  }
0x7e: {  	v5 =	vld.idx.msk [tilespmem:v7+s12+$0x0], $0xffff  }
0x7f: {  	v4 =	vadd.s32 v3, v4;
	v7 =	vld.idx.msk [tilespmem:v7+s13+$0x0], $0xffff  }
0x80: {  	v8 =	vand.u32 $0xFFFFFF80, v4  }
0x81: {  	v4 =	vand.u32 $0x7F, v4;
	v6 =	vadd.s32 v6, v8  }
0x82: {  	v4 =	vor.u32 v4, v6;
	_ =	sdelay $0x1  }
0x83: {  	v5 =	vadd.f32 v7, v5;
	_ =	sdelay $0x1  }
0x84: {  	[tilespmem:s22+$0x20] =	vst v5  }
0x85: {  	v5 =	vld.idx.msk [tilespmem:v4+s12+$0x0], $0xffff  }
0x86: {  	v4 =	vld.idx.msk [tilespmem:v4+s13+$0x0], $0xffff;
	_ =	sdelay $0x4  }
0x87: {  	v4 =	vadd.f32 v4, v5;
	_ =	sdelay $0x1  }
0x88: {  	[tilespmem:s22+$0x30] =	vst v4  }
0x89: {  	[tilespmem:s12], [sflag:$0x1] =	stream.indirect.gather [hbm4b:s3+s11], $0x80, s18, s11, $0xb8;
	[tilespmem:$0x18400] =	vst v63  }
0x8a: {  	s22 =	simm.s32 $0x0  }
0x8b: {  	[tilespmem:s13], [sflag:$0x2] =	stream.indirect.gather [hbm4b:s4+s11], $0x80, s18, s11, $0xb8;
	[tilespmem:$0x18400] =	vst v63  }
0x8c: {  	v4 =	vmov s22;
	_ =	swait.ge [sflag:s16], $0x4000  }
0x8d: {  	v5 =	vor.u32 $0x80, v4;
	[sflag:s16] =	ssyncset.done $0x0  }
0x8e: {  	[sflag:s16] =	ssyncadd.s32 $0xFFFFC000  }
0x8f: {  	_ =	swait.ge [sflag:s17], $0x4000  }
0x90: {  	[sflag:s17] =	ssyncset.done $0x0  }
0x91: {  	[sflag:s17] =	ssyncadd.s32 $0xFFFFC000  }
0x92: {  	v5 =	vld.idx.msk [tilespmem:v5+s10+$0x0], $0xffff;
	_ =	sdelay $0x4  }
0x93: {  	v6 =	vadd.s32 v0, v5  }
0x94: {  	v4 =	vshll.u32 v4, $0x7;
	v7 =	vand.u32 $0xFFFFFF80, v6  }
0x95: {  	v6 =	vand.u32 $0x7F, v6;
	v7 =	vadd.s32 v4, v7  }
0x96: {  	v6 =	vor.u32 v6, v7;
	_ =	sdelay $0x4  }
0x97: {  	v7 =	vld.idx.msk [tilespmem:v6+s14+$0x0], $0xffff  }
0x98: {  	v8 =	vadd.s32 v1, v5;
	v6 =	vld.idx.msk [tilespmem:v6+s15+$0x0], $0xffff  }
0x99: {  	v62 =	vand.u32 $0xFFFFFF80, v8  }
0x9a: {  	v8 =	vand.u32 $0x7F, v8;
	v9 =	vadd.s32 v4, v62  }
0x9b: {  	v8 =	vor.u32 v8, v9;
	_ =	sdelay $0x1  }
0x9c: {  	v6 =	vadd.f32 v6, v7  }
0x9d: {  	s31 =	sand.u32 $0x1FC0, s22  }
0x9e: {  	[tilespmem:s31+$0x12400] =	vst v6  }
0x9f: {  	v6 =	vld.idx.msk [tilespmem:v8+s14+$0x0], $0xffff  }
0xa0: {  	v7 =	vadd.s32 v2, v5;
	v8 =	vld.idx.msk [tilespmem:v8+s15+$0x0], $0xffff  }
0xa1: {  	v63 =	vand.u32 $0xFFFFFF80, v7  }
0xa2: {  	v7 =	vand.u32 $0x7F, v7;
	v9 =	vadd.s32 v4, v63  }
0xa3: {  	v7 =	vor.u32 v7, v9;
	_ =	sdelay $0x1  }
0xa4: {  	v6 =	vadd.f32 v8, v6  }
0xa5: {  	s25 =	sadd.s32 $0x12400, s31  }
0xa6: {  	[tilespmem:s25+$0x10] =	vst v6  }
0xa7: {  	v6 =	vld.idx.msk [tilespmem:v7+s14+$0x0], $0xffff  }
0xa8: {  	v5 =	vadd.s32 v3, v5;
	v7 =	vld.idx.msk [tilespmem:v7+s15+$0x0], $0xffff  }
0xa9: {  	v8 =	vand.u32 $0xFFFFFF80, v5  }
0xaa: {  	v5 =	vand.u32 $0x7F, v5;
	v4 =	vadd.s32 v4, v8  }
0xab: {  	v4 =	vor.u32 v5, v4;
	_ =	sdelay $0x1  }
0xac: {  	v5 =	vadd.f32 v7, v6;
	_ =	sdelay $0x1  }
0xad: {  	[tilespmem:s25+$0x20] =	vst v5  }
0xae: {  	v5 =	vld.idx.msk [tilespmem:v4+s14+$0x0], $0xffff  }
0xaf: {  	s24 =	simm.s32 $0x1;
	v6 =	vld.idx.msk [tilespmem:v4+s15+$0x0], $0xffff  }
0xb0: {  	s23 =	simm.s32 $0x2;
	v4 =	vmov s24  }
.LBB2_4:
0xb1: {  	p0 =	sne.s32 s23, $0x7F  }
0xb2: {  	v7 =	vor.u32 $0x80, v4;
	s22 =	sadd.s32 $0x40, s22;
	s24 =	smov.u32 s23;
	s23 =	sadd.s32 $0x1, s23  }
0xb3: {  	_ = 	snop  }
0xb4: {  	v5 =	vadd.f32 v6, v5;
	_ =	sdelay $0x1  }
0xb5: {  	[tilespmem:s25+$0x30] =	vst v5  }
0xb6: {  	v5 =	vld.idx.msk [tilespmem:v7+s10+$0x0], $0xffff;
	_ =	sdelay $0x5  }
0xb7: {  	v6 =	vadd.s32 v0, v5;
	v7 =	vadd.s32 v1, v5;
	v8 =	vadd.s32 v2, v5  }
0xb8: {  	v4 =	vshll.u32 v4, $0x7;
	v9 =	vand.u32 $0xFFFFFF80, v6;
	v10 =	vand.u32 $0xFFFFFF80, v7  }
0xb9: {  	v6 =	vand.u32 $0x7F, v6;
	v9 =	vadd.s32 v4, v9;
	v10 =	vadd.s32 v4, v10  }
0xba: {  	v5 =	vadd.s32 v3, v5;
	v6 =	vor.u32 v6, v9;
	v9 =	vand.u32 $0xFFFFFF80, v8  }
0xbb: {  	v11 =	vand.u32 $0xFFFFFF80, v5;
	v9 =	vadd.s32 v4, v9  }
0xbc: {  	v4 =	vadd.s32 v4, v11;
	_ =	sdelay $0x2  }
0xbd: {  	v11 =	vld.idx.msk [tilespmem:v6+s14+$0x0], $0xffff  }
0xbe: {  	v6 =	vld.idx.msk [tilespmem:v6+s15+$0x0], $0xffff;
	_ =	sdelay $0x2  }
0xbf: {  	v7 =	vand.u32 $0x7F, v7  }
0xc0: {  	v7 =	vor.u32 v7, v10;
	_ =	sdelay $0x1  }
0xc1: {  	s25 =	sand.u32 $0x1FC0, s22;
	v6 =	vadd.f32 v6, v11;
	_ =	sdelay $0x1  }
0xc2: {  	[tilespmem:s25+$0x12400] =	vst v6  }
0xc3: {  	v6 =	vld.idx.msk [tilespmem:v7+s14+$0x0], $0xffff  }
0xc4: {  	v7 =	vld.idx.msk [tilespmem:v7+s15+$0x0], $0xffff;
	_ =	sdelay $0x2  }
0xc5: {  	v8 =	vand.u32 $0x7F, v8  }
0xc6: {  	v8 =	vor.u32 v8, v9  }
0xc7: {  	s25 =	sadd.s32 $0x12400, s25  }
0xc8: {  	v6 =	vadd.f32 v7, v6;
	_ =	sdelay $0x1  }
0xc9: {  	[tilespmem:s25+$0x10] =	vst v6  }
0xca: {  	v6 =	vld.idx.msk [tilespmem:v8+s14+$0x0], $0xffff  }
0xcb: {  	v7 =	vld.idx.msk [tilespmem:v8+s15+$0x0], $0xffff;
	_ =	sdelay $0x2  }
0xcc: {  	v5 =	vand.u32 $0x7F, v5  }
0xcd: {  	v4 =	vor.u32 v5, v4;
	_ =	sdelay $0x1  }
0xce: {  	v5 =	vadd.f32 v7, v6;
	_ =	sdelay $0x1  }
0xcf: {  	[tilespmem:s25+$0x20] =	vst v5  }
.Ltmp1:
0xd0: {  	v5 =	vld.idx.msk [tilespmem:v4+s14+$0x0], $0xffff;
	(pc) =	sbr.rel @p0 .LBB2_4-.Ltmp1, $2  }
0xd1: {  	v6 =	vld.idx.msk [tilespmem:v4+s15+$0x0], $0xffff;
	_ =	sdelay $0x2  }
0xd2: {  	v4 =	vmov s24  }
0xd3: {  	v7 =	vor.u32 $0x80, v4;
	_ =	sdelay $0x1  }
0xd4: {  	v5 =	vadd.f32 v6, v5;
	_ =	sdelay $0x1  }
0xd5: {  	[tilespmem:s25+$0x30] =	vst v5  }
0xd6: {  	v5 =	vld.idx.msk [tilespmem:v7+s10+$0x0], $0xffff;
	_ =	sdelay $0x4  }
0xd7: {  	v6 =	vadd.s32 v0, v5  }
0xd8: {  	v4 =	vshll.u32 v4, $0x7;
	v7 =	vand.u32 $0xFFFFFF80, v6  }
0xd9: {  	v6 =	vand.u32 $0x7F, v6;
	v7 =	vadd.s32 v4, v7  }
0xda: {  	v6 =	vor.u32 v6, v7;
	_ =	sdelay $0x4  }
0xdb: {  	v7 =	vld.idx.msk [tilespmem:v6+s14+$0x0], $0xffff  }
0xdc: {  	v8 =	vadd.s32 v1, v5;
	v6 =	vld.idx.msk [tilespmem:v6+s15+$0x0], $0xffff  }
0xdd: {  	v9 =	vand.u32 $0xFFFFFF80, v8  }
0xde: {  	v8 =	vand.u32 $0x7F, v8;
	v9 =	vadd.s32 v4, v9  }
0xdf: {  	v8 =	vor.u32 v8, v9;
	_ =	sdelay $0x1  }
0xe0: {  	s22 =	sadd.s32 $0x40, s22;
	v6 =	vadd.f32 v6, v7  }
0xe1: {  	s22 =	sand.u32 $0x1FC0, s22  }
0xe2: {  	[tilespmem:s22+$0x12400] =	vst v6  }
0xe3: {  	v6 =	vld.idx.msk [tilespmem:v8+s14+$0x0], $0xffff  }
0xe4: {  	v7 =	vadd.s32 v2, v5;
	v8 =	vld.idx.msk [tilespmem:v8+s15+$0x0], $0xffff  }
0xe5: {  	v61 =	vand.u32 $0xFFFFFF80, v7  }
0xe6: {  	v7 =	vand.u32 $0x7F, v7;
	v9 =	vadd.s32 v4, v61  }
0xe7: {  	v7 =	vor.u32 v7, v9;
	_ =	sdelay $0x1  }
0xe8: {  	v6 =	vadd.f32 v8, v6  }
0xe9: {  	s22 =	sadd.s32 $0x12400, s22  }
0xea: {  	[tilespmem:s22+$0x10] =	vst v6  }
0xeb: {  	v6 =	vld.idx.msk [tilespmem:v7+s14+$0x0], $0xffff  }
0xec: {  	v5 =	vadd.s32 v3, v5;
	v7 =	vld.idx.msk [tilespmem:v7+s15+$0x0], $0xffff  }
0xed: {  	v8 =	vand.u32 $0xFFFFFF80, v5  }
0xee: {  	v5 =	vand.u32 $0x7F, v5;
	v4 =	vadd.s32 v4, v8  }
0xef: {  	v4 =	vor.u32 v5, v4;
	_ =	sdelay $0x1  }
0xf0: {  	v5 =	vadd.f32 v7, v6;
	_ =	sdelay $0x1  }
0xf1: {  	[tilespmem:s22+$0x20] =	vst v5  }
0xf2: {  	v5 =	vld.idx.msk [tilespmem:v4+s14+$0x0], $0xffff  }
0xf3: {  	v4 =	vld.idx.msk [tilespmem:v4+s15+$0x0], $0xffff;
	_ =	sdelay $0x4  }
0xf4: {  	v4 =	vadd.f32 v4, v5;
	_ =	sdelay $0x1  }
0xf5: {  	[tilespmem:s22+$0x30] =	vst v4  }
0xf6: {  	[tilespmem:s14], [sflag:$0x1] =	stream.indirect.gather [hbm4b:s3+s11], $0x80, s19, s11, $0xb8;
	[tilespmem:$0x18400] =	vst v63  }
0xf7: {  	s22 =	simm.s32 $0x0  }
0xf8: {  	[tilespmem:s15], [sflag:$0x2] =	stream.indirect.gather [hbm4b:s4+s11], $0x80, s19, s11, $0xb8;
	[tilespmem:$0x18400] =	vst v63  }
0xf9: {  	v4 =	vmov s22;
	_ =	swait.ge [sflag:s16], $0x4000  }
0xfa: {  	v5 =	vor.u32 $0x100, v4;
	[sflag:s16] =	ssyncset.done $0x0  }
0xfb: {  	[sflag:s16] =	ssyncadd.s32 $0xFFFFC000  }
0xfc: {  	_ =	swait.ge [sflag:s17], $0x4000  }
0xfd: {  	[sflag:s17] =	ssyncset.done $0x0  }
0xfe: {  	[sflag:s17] =	ssyncadd.s32 $0xFFFFC000  }
0xff: {  	v5 =	vld.idx.msk [tilespmem:v5+s10+$0x0], $0xffff;
	_ =	sdelay $0x4  }
0x100: {  	v6 =	vadd.s32 v0, v5  }
0x101: {  	v4 =	vshll.u32 v4, $0x7;
	v7 =	vand.u32 $0xFFFFFF80, v6  }
0x102: {  	v6 =	vand.u32 $0x7F, v6;
	v7 =	vadd.s32 v4, v7  }
0x103: {  	v6 =	vor.u32 v6, v7;
	_ =	sdelay $0x4  }
0x104: {  	v7 =	vld.idx.msk [tilespmem:v6+s12+$0x0], $0xffff  }
0x105: {  	v8 =	vadd.s32 v1, v5;
	v6 =	vld.idx.msk [tilespmem:v6+s13+$0x0], $0xffff  }
0x106: {  	v62 =	vand.u32 $0xFFFFFF80, v8  }
0x107: {  	v8 =	vand.u32 $0x7F, v8;
	v9 =	vadd.s32 v4, v62  }
0x108: {  	v8 =	vor.u32 v8, v9;
	_ =	sdelay $0x1  }
0x109: {  	v6 =	vadd.f32 v6, v7  }
0x10a: {  	s23 =	sand.u32 $0x1FC0, s22  }
0x10b: {  	[tilespmem:s23+$0x14400] =	vst v6  }
0x10c: {  	v6 =	vld.idx.msk [tilespmem:v8+s12+$0x0], $0xffff  }
0x10d: {  	v7 =	vadd.s32 v2, v5;
	v8 =	vld.idx.msk [tilespmem:v8+s13+$0x0], $0xffff  }
0x10e: {  	v63 =	vand.u32 $0xFFFFFF80, v7  }
0x10f: {  	v7 =	vand.u32 $0x7F, v7;
	v9 =	vadd.s32 v4, v63  }
0x110: {  	v7 =	vor.u32 v7, v9;
	_ =	sdelay $0x1  }
0x111: {  	v6 =	vadd.f32 v8, v6  }
0x112: {  	s25 =	sadd.s32 $0x14400, s23  }
0x113: {  	[tilespmem:s25+$0x10] =	vst v6  }
0x114: {  	v6 =	vld.idx.msk [tilespmem:v7+s12+$0x0], $0xffff  }
0x115: {  	v5 =	vadd.s32 v3, v5;
	v7 =	vld.idx.msk [tilespmem:v7+s13+$0x0], $0xffff  }
0x116: {  	v8 =	vand.u32 $0xFFFFFF80, v5  }
0x117: {  	v5 =	vand.u32 $0x7F, v5;
	v4 =	vadd.s32 v4, v8  }
0x118: {  	v4 =	vor.u32 v5, v4;
	_ =	sdelay $0x1  }
0x119: {  	v5 =	vadd.f32 v7, v6;
	_ =	sdelay $0x1  }
0x11a: {  	[tilespmem:s25+$0x20] =	vst v5  }
0x11b: {  	v5 =	vld.idx.msk [tilespmem:v4+s12+$0x0], $0xffff  }
0x11c: {  	s24 =	simm.s32 $0x1;
	v6 =	vld.idx.msk [tilespmem:v4+s13+$0x0], $0xffff  }
0x11d: {  	s23 =	simm.s32 $0x2;
	v4 =	vmov s24  }
.LBB2_6:
0x11e: {  	p0 =	sne.s32 s23, $0x7F  }
0x11f: {  	v7 =	vor.u32 $0x100, v4;
	s22 =	sadd.s32 $0x40, s22;
	s24 =	smov.u32 s23;
	s23 =	sadd.s32 $0x1, s23  }
0x120: {  	_ = 	snop  }
0x121: {  	v5 =	vadd.f32 v6, v5;
	_ =	sdelay $0x1  }
0x122: {  	[tilespmem:s25+$0x30] =	vst v5  }
0x123: {  	v5 =	vld.idx.msk [tilespmem:v7+s10+$0x0], $0xffff;
	_ =	sdelay $0x5  }
0x124: {  	v6 =	vadd.s32 v0, v5;
	v7 =	vadd.s32 v1, v5;
	v8 =	vadd.s32 v2, v5  }
0x125: {  	v4 =	vshll.u32 v4, $0x7;
	v9 =	vand.u32 $0xFFFFFF80, v6;
	v10 =	vand.u32 $0xFFFFFF80, v7  }
0x126: {  	v6 =	vand.u32 $0x7F, v6;
	v9 =	vadd.s32 v4, v9;
	v10 =	vadd.s32 v4, v10  }
0x127: {  	v5 =	vadd.s32 v3, v5;
	v6 =	vor.u32 v6, v9;
	v9 =	vand.u32 $0xFFFFFF80, v8  }
0x128: {  	v11 =	vand.u32 $0xFFFFFF80, v5;
	v9 =	vadd.s32 v4, v9  }
0x129: {  	v4 =	vadd.s32 v4, v11;
	_ =	sdelay $0x2  }
0x12a: {  	v11 =	vld.idx.msk [tilespmem:v6+s12+$0x0], $0xffff  }
0x12b: {  	v6 =	vld.idx.msk [tilespmem:v6+s13+$0x0], $0xffff;
	_ =	sdelay $0x2  }
0x12c: {  	v7 =	vand.u32 $0x7F, v7  }
0x12d: {  	v7 =	vor.u32 v7, v10;
	_ =	sdelay $0x1  }
0x12e: {  	s25 =	sand.u32 $0x1FC0, s22;
	v6 =	vadd.f32 v6, v11;
	_ =	sdelay $0x1  }
0x12f: {  	[tilespmem:s25+$0x14400] =	vst v6  }
0x130: {  	v6 =	vld.idx.msk [tilespmem:v7+s12+$0x0], $0xffff  }
0x131: {  	v7 =	vld.idx.msk [tilespmem:v7+s13+$0x0], $0xffff;
	_ =	sdelay $0x2  }
0x132: {  	v8 =	vand.u32 $0x7F, v8  }
0x133: {  	v8 =	vor.u32 v8, v9  }
0x134: {  	s25 =	sadd.s32 $0x14400, s25  }
0x135: {  	v6 =	vadd.f32 v7, v6;
	_ =	sdelay $0x1  }
0x136: {  	[tilespmem:s25+$0x10] =	vst v6  }
0x137: {  	v6 =	vld.idx.msk [tilespmem:v8+s12+$0x0], $0xffff  }
0x138: {  	v7 =	vld.idx.msk [tilespmem:v8+s13+$0x0], $0xffff;
	_ =	sdelay $0x2  }
0x139: {  	v5 =	vand.u32 $0x7F, v5  }
0x13a: {  	v4 =	vor.u32 v5, v4;
	_ =	sdelay $0x1  }
0x13b: {  	v5 =	vadd.f32 v7, v6;
	_ =	sdelay $0x1  }
0x13c: {  	[tilespmem:s25+$0x20] =	vst v5  }
.Ltmp2:
0x13d: {  	v5 =	vld.idx.msk [tilespmem:v4+s12+$0x0], $0xffff;
	(pc) =	sbr.rel @p0 .LBB2_6-.Ltmp2, $2  }
0x13e: {  	v6 =	vld.idx.msk [tilespmem:v4+s13+$0x0], $0xffff;
	_ =	sdelay $0x2  }
0x13f: {  	v4 =	vmov s24  }
0x140: {  	v7 =	vor.u32 $0x100, v4;
	_ =	sdelay $0x1  }
0x141: {  	v5 =	vadd.f32 v6, v5;
	_ =	sdelay $0x1  }
0x142: {  	[tilespmem:s25+$0x30] =	vst v5  }
0x143: {  	v5 =	vld.idx.msk [tilespmem:v7+s10+$0x0], $0xffff;
	_ =	sdelay $0x4  }
0x144: {  	v6 =	vadd.s32 v0, v5  }
0x145: {  	v4 =	vshll.u32 v4, $0x7;
	v7 =	vand.u32 $0xFFFFFF80, v6  }
0x146: {  	v6 =	vand.u32 $0x7F, v6;
	v7 =	vadd.s32 v4, v7  }
0x147: {  	v6 =	vor.u32 v6, v7;
	_ =	sdelay $0x4  }
0x148: {  	v7 =	vld.idx.msk [tilespmem:v6+s12+$0x0], $0xffff  }
0x149: {  	v8 =	vadd.s32 v1, v5;
	v6 =	vld.idx.msk [tilespmem:v6+s13+$0x0], $0xffff  }
0x14a: {  	v9 =	vand.u32 $0xFFFFFF80, v8  }
0x14b: {  	v8 =	vand.u32 $0x7F, v8;
	v9 =	vadd.s32 v4, v9  }
0x14c: {  	v8 =	vor.u32 v8, v9;
	_ =	sdelay $0x1  }
0x14d: {  	s22 =	sadd.s32 $0x40, s22;
	v6 =	vadd.f32 v6, v7  }
0x14e: {  	s22 =	sand.u32 $0x1FC0, s22  }
0x14f: {  	[tilespmem:s22+$0x14400] =	vst v6  }
0x150: {  	v6 =	vld.idx.msk [tilespmem:v8+s12+$0x0], $0xffff  }
0x151: {  	v7 =	vadd.s32 v2, v5;
	v8 =	vld.idx.msk [tilespmem:v8+s13+$0x0], $0xffff  }
0x152: {  	v61 =	vand.u32 $0xFFFFFF80, v7  }
0x153: {  	v7 =	vand.u32 $0x7F, v7;
	v9 =	vadd.s32 v4, v61  }
0x154: {  	v7 =	vor.u32 v7, v9;
	_ =	sdelay $0x1  }
0x155: {  	v6 =	vadd.f32 v8, v6  }
0x156: {  	s22 =	sadd.s32 $0x14400, s22  }
0x157: {  	[tilespmem:s22+$0x10] =	vst v6  }
0x158: {  	v6 =	vld.idx.msk [tilespmem:v7+s12+$0x0], $0xffff  }
0x159: {  	v5 =	vadd.s32 v3, v5;
	v7 =	vld.idx.msk [tilespmem:v7+s13+$0x0], $0xffff  }
0x15a: {  	v8 =	vand.u32 $0xFFFFFF80, v5  }
0x15b: {  	v5 =	vand.u32 $0x7F, v5;
	v4 =	vadd.s32 v4, v8  }
0x15c: {  	v4 =	vor.u32 v5, v4;
	_ =	sdelay $0x1  }
0x15d: {  	v5 =	vadd.f32 v7, v6;
	_ =	sdelay $0x1  }
0x15e: {  	[tilespmem:s22+$0x20] =	vst v5  }
0x15f: {  	v5 =	vld.idx.msk [tilespmem:v4+s12+$0x0], $0xffff  }
0x160: {  	v4 =	vld.idx.msk [tilespmem:v4+s13+$0x0], $0xffff;
	_ =	sdelay $0x4  }
0x161: {  	v4 =	vadd.f32 v4, v5;
	_ =	sdelay $0x1  }
0x162: {  	[tilespmem:s22+$0x30] =	vst v4;
	s22 =	simm.s32 $0x0  }
0x163: {  	_ =	swait.ge [sflag:s16], $0x4000;
	v4 =	vmov s22  }
0x164: {  	[sflag:s16] =	ssyncset.done $0x0;
	v5 =	vor.u32 $0x180, v4  }
0x165: {  	[sflag:s16] =	ssyncadd.s32 $0xFFFFC000  }
0x166: {  	_ =	swait.ge [sflag:s17], $0x4000  }
0x167: {  	[sflag:s17] =	ssyncset.done $0x0  }
0x168: {  	[sflag:s17] =	ssyncadd.s32 $0xFFFFC000  }
0x169: {  	v5 =	vld.idx.msk [tilespmem:v5+s10+$0x0], $0xffff;
	_ =	sdelay $0x4  }
0x16a: {  	v6 =	vadd.s32 v0, v5  }
0x16b: {  	v4 =	vshll.u32 v4, $0x7;
	v7 =	vand.u32 $0xFFFFFF80, v6  }
0x16c: {  	v6 =	vand.u32 $0x7F, v6;
	v7 =	vadd.s32 v4, v7  }
0x16d: {  	v6 =	vor.u32 v6, v7;
	_ =	sdelay $0x4  }
0x16e: {  	v7 =	vld.idx.msk [tilespmem:v6+s14+$0x0], $0xffff  }
0x16f: {  	v8 =	vadd.s32 v1, v5;
	v6 =	vld.idx.msk [tilespmem:v6+s15+$0x0], $0xffff  }
0x170: {  	v62 =	vand.u32 $0xFFFFFF80, v8  }
0x171: {  	v8 =	vand.u32 $0x7F, v8;
	v9 =	vadd.s32 v4, v62  }
0x172: {  	v8 =	vor.u32 v8, v9;
	_ =	sdelay $0x1  }
0x173: {  	v6 =	vadd.f32 v6, v7  }
0x174: {  	s23 =	sand.u32 $0x1FC0, s22  }
0x175: {  	[tilespmem:s23+$0x16400] =	vst v6  }
0x176: {  	v6 =	vld.idx.msk [tilespmem:v8+s14+$0x0], $0xffff  }
0x177: {  	v7 =	vadd.s32 v2, v5;
	v8 =	vld.idx.msk [tilespmem:v8+s15+$0x0], $0xffff  }
0x178: {  	v63 =	vand.u32 $0xFFFFFF80, v7  }
0x179: {  	v7 =	vand.u32 $0x7F, v7;
	v9 =	vadd.s32 v4, v63  }
0x17a: {  	v7 =	vor.u32 v7, v9;
	_ =	sdelay $0x1  }
0x17b: {  	v6 =	vadd.f32 v8, v6  }
0x17c: {  	s25 =	sadd.s32 $0x16400, s23  }
0x17d: {  	[tilespmem:s25+$0x10] =	vst v6  }
0x17e: {  	v6 =	vld.idx.msk [tilespmem:v7+s14+$0x0], $0xffff  }
0x17f: {  	v5 =	vadd.s32 v3, v5;
	v7 =	vld.idx.msk [tilespmem:v7+s15+$0x0], $0xffff  }
0x180: {  	v8 =	vand.u32 $0xFFFFFF80, v5  }
0x181: {  	v5 =	vand.u32 $0x7F, v5;
	v4 =	vadd.s32 v4, v8  }
0x182: {  	v4 =	vor.u32 v5, v4;
	_ =	sdelay $0x1  }
0x183: {  	v5 =	vadd.f32 v7, v6;
	_ =	sdelay $0x1  }
0x184: {  	[tilespmem:s25+$0x20] =	vst v5  }
0x185: {  	v5 =	vld.idx.msk [tilespmem:v4+s14+$0x0], $0xffff  }
0x186: {  	s24 =	simm.s32 $0x1;
	v6 =	vld.idx.msk [tilespmem:v4+s15+$0x0], $0xffff  }
0x187: {  	s23 =	simm.s32 $0x2;
	v4 =	vmov s24  }
.LBB2_8:
0x188: {  	p0 =	sne.s32 s23, $0x7F  }
0x189: {  	v7 =	vor.u32 $0x180, v4;
	s22 =	sadd.s32 $0x40, s22;
	s24 =	smov.u32 s23;
	s23 =	sadd.s32 $0x1, s23  }
0x18a: {  	_ = 	snop  }
0x18b: {  	v5 =	vadd.f32 v6, v5;
	_ =	sdelay $0x1  }
0x18c: {  	[tilespmem:s25+$0x30] =	vst v5  }
0x18d: {  	v5 =	vld.idx.msk [tilespmem:v7+s10+$0x0], $0xffff;
	_ =	sdelay $0x5  }
0x18e: {  	v6 =	vadd.s32 v0, v5;
	v7 =	vadd.s32 v1, v5;
	v8 =	vadd.s32 v2, v5  }
0x18f: {  	v4 =	vshll.u32 v4, $0x7;
	v9 =	vand.u32 $0xFFFFFF80, v6;
	v10 =	vand.u32 $0xFFFFFF80, v7  }
0x190: {  	v6 =	vand.u32 $0x7F, v6;
	v9 =	vadd.s32 v4, v9;
	v10 =	vadd.s32 v4, v10  }
0x191: {  	v5 =	vadd.s32 v3, v5;
	v6 =	vor.u32 v6, v9;
	v9 =	vand.u32 $0xFFFFFF80, v8  }
0x192: {  	v11 =	vand.u32 $0xFFFFFF80, v5;
	v9 =	vadd.s32 v4, v9  }
0x193: {  	v4 =	vadd.s32 v4, v11;
	_ =	sdelay $0x2  }
0x194: {  	v11 =	vld.idx.msk [tilespmem:v6+s14+$0x0], $0xffff  }
0x195: {  	v6 =	vld.idx.msk [tilespmem:v6+s15+$0x0], $0xffff;
	_ =	sdelay $0x2  }
0x196: {  	v7 =	vand.u32 $0x7F, v7  }
0x197: {  	v7 =	vor.u32 v7, v10;
	_ =	sdelay $0x1  }
0x198: {  	s25 =	sand.u32 $0x1FC0, s22;
	v6 =	vadd.f32 v6, v11;
	_ =	sdelay $0x1  }
0x199: {  	[tilespmem:s25+$0x16400] =	vst v6  }
0x19a: {  	v6 =	vld.idx.msk [tilespmem:v7+s14+$0x0], $0xffff  }
0x19b: {  	v7 =	vld.idx.msk [tilespmem:v7+s15+$0x0], $0xffff;
	_ =	sdelay $0x2  }
0x19c: {  	v8 =	vand.u32 $0x7F, v8  }
0x19d: {  	v8 =	vor.u32 v8, v9  }
0x19e: {  	s25 =	sadd.s32 $0x16400, s25  }
0x19f: {  	v6 =	vadd.f32 v7, v6;
	_ =	sdelay $0x1  }
0x1a0: {  	[tilespmem:s25+$0x10] =	vst v6  }
0x1a1: {  	v6 =	vld.idx.msk [tilespmem:v8+s14+$0x0], $0xffff  }
0x1a2: {  	v7 =	vld.idx.msk [tilespmem:v8+s15+$0x0], $0xffff;
	_ =	sdelay $0x2  }
0x1a3: {  	v5 =	vand.u32 $0x7F, v5  }
0x1a4: {  	v4 =	vor.u32 v5, v4;
	_ =	sdelay $0x1  }
0x1a5: {  	v5 =	vadd.f32 v7, v6;
	_ =	sdelay $0x1  }
0x1a6: {  	[tilespmem:s25+$0x20] =	vst v5  }
.Ltmp3:
0x1a7: {  	v5 =	vld.idx.msk [tilespmem:v4+s14+$0x0], $0xffff;
	(pc) =	sbr.rel @p0 .LBB2_8-.Ltmp3, $2  }
0x1a8: {  	v6 =	vld.idx.msk [tilespmem:v4+s15+$0x0], $0xffff;
	_ =	sdelay $0x2  }
0x1a9: {  	v4 =	vmov s24  }
0x1aa: {  	v7 =	vor.u32 $0x180, v4;
	_ =	sdelay $0x1  }
0x1ab: {  	v5 =	vadd.f32 v6, v5;
	_ =	sdelay $0x1  }
0x1ac: {  	[tilespmem:s25+$0x30] =	vst v5  }
0x1ad: {  	v5 =	vld.idx.msk [tilespmem:v7+s10+$0x0], $0xffff;
	_ =	sdelay $0x4  }
0x1ae: {  	v59 =	vadd.s32 v0, v5  }
0x1af: {  	v4 =	vshll.u32 v4, $0x7;
	v60 =	vand.u32 $0xFFFFFF80, v59  }
0x1b0: {  	v6 =	vand.u32 $0x7F, v59;
	v7 =	vadd.s32 v4, v60  }
0x1b1: {  	v6 =	vor.u32 v6, v7;
	_ =	sdelay $0x4  }
0x1b2: {  	v7 =	vld.idx.msk [tilespmem:v6+s14+$0x0], $0xffff  }
0x1b3: {  	v8 =	vadd.s32 v1, v5;
	v6 =	vld.idx.msk [tilespmem:v6+s15+$0x0], $0xffff  }
0x1b4: {  	v9 =	vand.u32 $0xFFFFFF80, v8  }
0x1b5: {  	v8 =	vand.u32 $0x7F, v8;
	v9 =	vadd.s32 v4, v9  }
0x1b6: {  	v8 =	vor.u32 v8, v9;
	_ =	sdelay $0x1  }
0x1b7: {  	s22 =	sadd.s32 $0x40, s22;
	v6 =	vadd.f32 v6, v7  }
0x1b8: {  	s22 =	sand.u32 $0x1FC0, s22  }
0x1b9: {  	[tilespmem:s22+$0x16400] =	vst v6  }
0x1ba: {  	v6 =	vld.idx.msk [tilespmem:v8+s14+$0x0], $0xffff  }
0x1bb: {  	v61 =	vadd.s32 v2, v5;
	v8 =	vld.idx.msk [tilespmem:v8+s15+$0x0], $0xffff  }
0x1bc: {  	v62 =	vand.u32 $0xFFFFFF80, v61  }
0x1bd: {  	v9 =	vadd.s32 v4, v62;
	v7 =	vand.u32 $0x7F, v61  }
0x1be: {  	v7 =	vor.u32 v7, v9;
	_ =	sdelay $0x1  }
0x1bf: {  	v6 =	vadd.f32 v8, v6  }
0x1c0: {  	s22 =	sadd.s32 $0x16400, s22  }
0x1c1: {  	[tilespmem:s22+$0x10] =	vst v6  }
0x1c2: {  	v6 =	vld.idx.msk [tilespmem:v7+s14+$0x0], $0xffff  }
0x1c3: {  	v5 =	vadd.s32 v3, v5;
	v7 =	vld.idx.msk [tilespmem:v7+s15+$0x0], $0xffff  }
0x1c4: {  	v63 =	vand.u32 $0xFFFFFF80, v5  }
0x1c5: {  	v5 =	vand.u32 $0x7F, v5;
	v4 =	vadd.s32 v4, v63  }
0x1c6: {  	v4 =	vor.u32 v5, v4;
	_ =	sdelay $0x1  }
0x1c7: {  	v5 =	vadd.f32 v7, v6;
	_ =	sdelay $0x1  }
0x1c8: {  	[tilespmem:s22+$0x20] =	vst v5  }
0x1c9: {  	v5 =	vld.idx.msk [tilespmem:v4+s14+$0x0], $0xffff  }
0x1ca: {  	v4 =	vld.idx.msk [tilespmem:v4+s15+$0x0], $0xffff;
	_ =	sdelay $0x4  }
0x1cb: {  	s21 =	sadd.s32 $0x1, s21;
	v4 =	vadd.f32 v4, v5  }
0x1cc: {  	p0 =	sne.s32 s21, s8  }
.Ltmp4:
0x1cd: {  	[tilespmem:s22+$0x30] =	vst v4;
	(pc) =	sbr.rel @p0 .LBB2_1-.Ltmp4, $4  }
0x1ce: {  	[hbm4b:s7+s2] =	stream.linear.scatter [tilespmem:s20], [sflag:$0x3], $0x8000, $0x38;
	[tilespmem:$0x18400] =	vst v63  }
0x1cf: {  	_ =	swait.ge [sflag:s9], $0x8000  }
0x1d0: {  	[sflag:s9] =	ssyncset.done $0x0  }
0x1d1: {  	[sflag:s9] =	ssyncadd.s32 $0xFFFF8000  }
0x1d2: {  	_ =	sfence.sel $0x180000  }
0x1d3: {  	[bflag:$0x0] =	sbarrier.arrive $0xFFFF  }
0x1d4: {  	p0 =	sne.s32 s1, $0x0;
	_ =	strace $0x90000047  }
0x1d5: {  	s0 =	sadd.s32 @!p0 $0x100000, s0;
	[bflag:$0x2] =	sbarrier.arrive $0xFFFF  }
0x1d6: {  	[sflag:s0] =	ssyncadd.tile.s32 @!p0 $0x1;
	_ =	shalt  }
.Lfunc_end2:
_tile_overlayer_lowered:
.L_overlay_start_2:
0x1d7: {  	(tag) =	ssettag $0x2  }
0x1d8: {  	s0 =	rddreg [dreg:$0x0];
	s2 =	stileid.u32  }
0x1d9: {  	s1 =	rddreg [dreg:$0x1];
	p0 =	sne.s32 s2, $0x0  }
0x1da: {  	s3 =	rddreg [dreg:$0x2];
	[bflag:$0x3] =	sbarrier.arrive $0xFFFF;
	s2 =	simm.s32 @!p0 $0x1C03  }
0x1db: {  	[timem:s3], [sflag:s2] =	dma.local @!p0 [hbm:s0], s1  }
0x1dc: {  	s0 =	simm.s32 @!p0 $0x3  }
0x1dd: {  	_ =	swait.ge @!p0 [sflag:s0], s1  }
0x1de: {  	s1 =	ssub.s32 @!p0 $0x0, s1;
	[sflag:s0] =	ssyncset.done @!p0 $0x0  }
0x1df: {  	[sflag:s0] =	ssyncadd.s32 @!p0 s1  }
0x1e0: {  	[bflag:$0x3] =	sbarrier.arrive $0xFFFF  }
0x1e1: {  	_ =	shalt  }

</sc_bundles>
